<compile_context>
chip_gen: v7x
topology: tpu7x:2x2x1
jax: 0.10.2.dev20260603
libtpu: 0.0.44.dev20260713+nightly
codegen_flags: <defaults>
</compile_context>

<pallas_src>
import functools

import jax
import jax.numpy as jnp
from jax import lax
from jax.experimental import pallas as pl
from jax.experimental.pallas import tpu as pltpu
from jax.experimental.pallas import tpu_sc as plsc

_B, _N, _H, _M = 1024, 200, 128, 200
_EPS = 1e-12
_T = _B * _N
_NC, _NS, _L = 2, 16, 16
_NW = _NC * _NS
_TW = _T // _NW
_C = 320
_NCHUNK = _TW // _C
_G = _C // _L
_HV = _H // _L
_CP = _H // 2
_PS = _CP + 1
_ES = _L + 1


def _bcast_lane(vec, idx):
    return lax.gather(
        vec, idx[:, None],
        dimension_numbers=lax.GatherDimensionNumbers(
            offset_dims=(), collapsed_slice_dims=(0,), start_index_map=(0,)),
        slice_sizes=(1,),
        mode=lax.GatherScatterMode.PROMISE_IN_BOUNDS)


def _sc_body(tblp_h, p_h, s_h, g_h, b_h, out_h,
             tblp_v, g_v, b_v, pidx_v, sidx_v, e_v,
             out0, out1, semo0, semo1):
    out_v = [out0, out1]
    semo = [semo0, semo1]
    wid = lax.axis_index("s") * _NC + lax.axis_index("c")
    pltpu.sync_copy(tblp_h, tblp_v)
    pltpu.sync_copy(g_h, g_v)
    pltpu.sync_copy(b_h, b_v)
    base0 = wid * _TW
    lane = lax.iota(jnp.int32, _L)
    half = jnp.full((_L,), 0.5, jnp.float32)
    one = jnp.full((_L,), 1, jnp.int32)
    es2 = jnp.full((_L,), 2 * _ES, jnp.int32)
    es1 = jnp.full((_L,), _ES, jnp.int32)
    magic = jnp.full((_L,), 0x5F3759DF, jnp.int32)
    zf = jnp.zeros((_L,), jnp.float32)
    gs = [g_v[pl.ds(cv * _L, _L)] for cv in range(_HV)]
    bs = [b_v[pl.ds(cv * _L, _L)] for cv in range(_HV)]
    ebases = [(cv * _L + lane) * _ES for cv in range(_HV)]

    def unpk(word):
        return plsc.unpack(plsc.bitcast(word, jnp.bfloat16),
                           format=plsc.PackFormat.INTERLEAVED)

    def do_chunk(kk, b):
        base = base0 + kk * _C
        pltpu.sync_copy(p_h.at[pl.ds(base, _C)], pidx_v)
        pltpu.sync_copy(s_h.at[pl.ds(base, _C)], sidx_v)

        @pl.when(kk >= 2)
        def _wait_out():
            pltpu.make_async_copy(
                out_v[b], out_h.at[pl.ds(0, _C * _H)], semo[b]).wait()

        ovb = out_v[b]

        def group_body(g, carry):
            tok0 = g * _L
            pv = pidx_v[pl.ds(tok0, _L)] * _PS
            sv = sidx_v[pl.ds(tok0, _L)] * _PS
            nv = lax.rem(lane + (base + tok0), _N) * _PS

            @plsc.parallel_loop(
                0, _CP, carry=(zf, zf, nv, pv, sv, lane), unroll=8)
            def _p1(cp, cr):
                acc, acc2, ni, pi, si, ei = cr
                n0, n1 = unpk(plsc.load_gather(tblp_v, [ni]))
                p0, p1 = unpk(plsc.load_gather(tblp_v, [pi]))
                s0, s1 = unpk(plsc.load_gather(tblp_v, [si]))
                e0 = n0 + half * (p0 + s0)
                e1 = n1 + half * (p1 + s1)
                plsc.store_scatter(e_v, [ei], e0)
                plsc.store_scatter(e_v, [ei + es1], e1)
                return (acc + (e0 + e1), acc2 + (e0 * e0 + e1 * e1),
                        ni + one, pi + one, si + one, ei + es2)

            acc, acc2 = _p1[0], _p1[1]
            mu = acc * (1.0 / _H)
            var = acc2 * (1.0 / _H) - mu * mu + _EPS
            yi = magic - (plsc.bitcast(var, jnp.int32) >> 1)
            y = plsc.bitcast(yi, jnp.float32)
            for _ in range(3):
                y = y * (1.5 - 0.5 * var * y * y)

            @plsc.parallel_loop(0, _L, unroll=2)
            def _p2(t):
                tsplat = jnp.zeros((_L,), jnp.int32) + t
                mu_sp = _bcast_lane(mu, tsplat)
                inv_sp = _bcast_lane(y, tsplat)
                obase = (tok0 + t) * _H
                for cv in range(_HV):
                    ev = plsc.load_gather(e_v, [ebases[cv] + tsplat])
                    res = (ev - mu_sp) * inv_sp * gs[cv] + bs[cv]
                    ovb[pl.ds(obase + cv * _L, _L)] = res

            return carry

        lax.fori_loop(0, _G, group_body, 0)
        pltpu.async_copy(out_v[b], out_h.at[pl.ds(base * _H, _C * _H)],
                         semo[b])

    def chunk_pair(k2, carry):
        for b in range(2):
            do_chunk(k2 * 2 + b, b)
        return carry

    lax.fori_loop(0, _NCHUNK // 2, chunk_pair, 0)
    for b in range(2):
        pltpu.make_async_copy(
            out_v[b], out_h.at[pl.ds(0, _C * _H)], semo[b]).wait()


def kernel(top_vecs, tok_struct_vec, sent_struct_vec, table, gamma, beta):
    del top_vecs, tok_struct_vec
    p_idx = sent_struct_vec[:, :, 0].reshape(_T).astype(jnp.int32)
    s_idx = sent_struct_vec[:, :, 1].reshape(_T).astype(jnp.int32)
    tb = table.astype(jnp.bfloat16).reshape(_M, _CP, 2)
    packed = jax.lax.bitcast_convert_type(tb, jnp.int32)
    packed = jnp.pad(packed, ((0, 0), (0, 1))).reshape(_M * _PS)
    mesh = plsc.VectorSubcoreMesh(core_axis_name="c", subcore_axis_name="s")
    run = functools.partial(
        pl.kernel,
        mesh=mesh,
        compiler_params=pltpu.CompilerParams(needs_layout_passes=False),
        out_type=jax.ShapeDtypeStruct((_T * _H,), jnp.float32),
        scratch_types=[
            pltpu.VMEM((_M * _PS,), jnp.int32),
            pltpu.VMEM((_H,), jnp.float32),
            pltpu.VMEM((_H,), jnp.float32),
            pltpu.VMEM((_C,), jnp.int32),
            pltpu.VMEM((_C,), jnp.int32),
            pltpu.VMEM((_H * _ES,), jnp.float32),
            pltpu.VMEM((_C * _H,), jnp.float32),
            pltpu.VMEM((_C * _H,), jnp.float32),
            pltpu.SemaphoreType.DMA,
            pltpu.SemaphoreType.DMA,
        ],
    )(_sc_body)
    out = run(packed, p_idx, s_idx, gamma, beta)
    return out.reshape(_B, _N, _H)

# --- scband reference (transcript-rebuilt; emitter-appended) ---
"""Pipeline reference for scband-lpsent-add-emb-mean-77936476553930 (READ-ONLY COPY).

The authoritative reference and input builder live on the scoring server;
editing this copy changes nothing except your own understanding.
"""

import jax, jax.numpy as jnp
import numpy as np

B, N, H, M = 1024, 200, 128, 200
EPS = 1e-12


def setup_inputs(seed: int = 0) -> dict:
    key = jax.random.key(seed)
    k1, k2, k3, k4 = jax.random.split(key, 4)
    top_vecs = jax.random.normal(k1, (B, N, H), dtype=jnp.float32)
    tok_struct_vec = jax.random.randint(k2, (B, N), 0, M)
    sent_struct_vec = jax.random.randint(k3, (B, N, 2), 0, M)
    table = jax.random.normal(k4, (M, H), dtype=jnp.float32) * 0.02
    gamma = jnp.ones((H,), dtype=jnp.float32)
    beta = jnp.zeros((H,), dtype=jnp.float32)
    return {
        "top_vecs": top_vecs,
        "tok_struct_vec": tok_struct_vec,
        "sent_struct_vec": sent_struct_vec,
        "table": table,
        "gamma": gamma,
        "beta": beta,
    }


def reference(top_vecs, tok_struct_vec, sent_struct_vec, table, gamma, beta):
    batch_size, n_sents = top_vecs.shape[0], top_vecs.shape[1]
    position_ids = jnp.broadcast_to(jnp.arange(n_sents, dtype=jnp.int32)[None, :], (batch_size, n_sents))
    position_embeddings = jnp.take(table, position_ids, axis=0)
    para_pos = sent_struct_vec[:, :, 0]
    sent_pos = sent_struct_vec[:, :, 1]
    para_position_embeddings = jnp.take(table, para_pos, axis=0)
    sent_position_embeddings = jnp.take(table, sent_pos, axis=0)
    sent_struct_embeddings = (para_position_embeddings + sent_position_embeddings) / 2.0
    embeddings = position_embeddings + sent_struct_embeddings
    mu = jnp.mean(embeddings, axis=-1, keepdims=True)
    var = jnp.mean((embeddings - mu) ** 2, axis=-1, keepdims=True)
    embeddings = (embeddings - mu) / jnp.sqrt(var + EPS) * gamma + beta
    # dropout is identity in eval mode
    return embeddings

if __name__ == "__main__":
    import jax
    _d = setup_inputs()
    print(jax.jit(kernel)(*tuple(_d.values())))

</pallas_src>

<mosaic_0001>
#map = affine_map<(d0, d1) -> (0)>
module attributes {stable_mosaic.version = 14 : i64} {
  func.func @_sc_body(%arg0: i32, %arg1: i32, %arg2: memref<13000xi32, #tpu.memory_space<hbm>>, %arg3: memref<204800xi32, #tpu.memory_space<hbm>>, %arg4: memref<204800xi32, #tpu.memory_space<hbm>>, %arg5: memref<128xf32, #tpu.memory_space<hbm>>, %arg6: memref<128xf32, #tpu.memory_space<hbm>>, %arg7: memref<26214400xf32, #tpu.memory_space<hbm>>, %arg8: memref<13000xi32, #tpu.memory_space<vmem>>, %arg9: memref<128xf32, #tpu.memory_space<vmem>>, %arg10: memref<128xf32, #tpu.memory_space<vmem>>, %arg11: memref<320xi32, #tpu.memory_space<vmem>>, %arg12: memref<320xi32, #tpu.memory_space<vmem>>, %arg13: memref<2176xf32, #tpu.memory_space<vmem>>, %arg14: memref<40960xf32, #tpu.memory_space<vmem>>, %arg15: memref<40960xf32, #tpu.memory_space<vmem>>, %arg16: memref<!tpu.dma_semaphore, #tpu.memory_space<semaphore_mem>>, %arg17: memref<!tpu.dma_semaphore, #tpu.memory_space<semaphore_mem>>) attributes {dimension_semantics = [#tpu.dimension_semantics<core_parallel>, #tpu.dimension_semantics<subcore_parallel>], iteration_bounds = array<i64: 2, 16>, scalar_prefetch = 0 : i64, scratch_operands = 10 : i64, tpu.core_type = #tpu.core_type<sc_vector_subcore>, window_params = [{transform_indices = #map}, {transform_indices = #map}, {transform_indices = #map}, {transform_indices = #map}, {transform_indices = #map}, {transform_indices = #map}]} {
    %mul3A = arith.constant 2 : i32
    %mul3A_0 = arith.muli %arg1, %mul3A : i32
    %add3A = arith.addi %mul3A_0, %arg0 : i32
    "tpu.region"() ({
      %run_scoped3A = tpu.sem_alloc : memref<!tpu.dma_semaphore, #tpu.memory_space<semaphore_mem>>
      tpu.enqueue_dma source(%arg2 : memref<13000xi32, #tpu.memory_space<hbm>>) target(%arg8 : memref<13000xi32, #tpu.memory_space<vmem>>) target_semaphore(%run_scoped3A : memref<!tpu.dma_semaphore, #tpu.memory_space<semaphore_mem>>)
      tpu.wait_dma2 semaphore(%run_scoped3A : memref<!tpu.dma_semaphore, #tpu.memory_space<semaphore_mem>>) src(%arg2 : memref<13000xi32, #tpu.memory_space<hbm>>) dst(%arg8 : memref<13000xi32, #tpu.memory_space<vmem>>)
      tpu.yield
    }) : () -> ()
    "tpu.region"() ({
      %run_scoped3A = tpu.sem_alloc : memref<!tpu.dma_semaphore, #tpu.memory_space<semaphore_mem>>
      tpu.enqueue_dma source(%arg5 : memref<128xf32, #tpu.memory_space<hbm>>) target(%arg9 : memref<128xf32, #tpu.memory_space<vmem>>) target_semaphore(%run_scoped3A : memref<!tpu.dma_semaphore, #tpu.memory_space<semaphore_mem>>)
      tpu.wait_dma2 semaphore(%run_scoped3A : memref<!tpu.dma_semaphore, #tpu.memory_space<semaphore_mem>>) src(%arg5 : memref<128xf32, #tpu.memory_space<hbm>>) dst(%arg9 : memref<128xf32, #tpu.memory_space<vmem>>)
      tpu.yield
    }) : () -> ()
    "tpu.region"() ({
      %run_scoped3A = tpu.sem_alloc : memref<!tpu.dma_semaphore, #tpu.memory_space<semaphore_mem>>
      tpu.enqueue_dma source(%arg6 : memref<128xf32, #tpu.memory_space<hbm>>) target(%arg10 : memref<128xf32, #tpu.memory_space<vmem>>) target_semaphore(%run_scoped3A : memref<!tpu.dma_semaphore, #tpu.memory_space<semaphore_mem>>)
      tpu.wait_dma2 semaphore(%run_scoped3A : memref<!tpu.dma_semaphore, #tpu.memory_space<semaphore_mem>>) src(%arg6 : memref<128xf32, #tpu.memory_space<hbm>>) dst(%arg10 : memref<128xf32, #tpu.memory_space<vmem>>)
      tpu.yield
    }) : () -> ()
    %mul3A_1 = arith.constant 6400 : i32
    %mul3A_2 = arith.muli %add3A, %mul3A_1 : i32
    %iota3A = tpu.iota {dimensions = array<i32: 0>} : vector<16xi32>
    %broadcast_in_dim3A = arith.constant 5.000000e-01 : f32
    %broadcast_in_dim3A_3 = vector.broadcast %broadcast_in_dim3A : f32 to vector<16xf32>
    %broadcast_in_dim3A_4 = arith.constant 1 : i32
    %broadcast_in_dim3A_5 = vector.broadcast %broadcast_in_dim3A_4 : i32 to vector<16xi32>
    %broadcast_in_dim3A_6 = arith.constant 34 : i32
    %broadcast_in_dim3A_7 = vector.broadcast %broadcast_in_dim3A_6 : i32 to vector<16xi32>
    %broadcast_in_dim3A_8 = arith.constant 17 : i32
    %broadcast_in_dim3A_9 = vector.broadcast %broadcast_in_dim3A_8 : i32 to vector<16xi32>
    %broadcast_in_dim3A_10 = arith.constant 1597463007 : i32
    %broadcast_in_dim3A_11 = vector.broadcast %broadcast_in_dim3A_10 : i32 to vector<16xi32>
    %broadcast_in_dim3A_12 = arith.constant 0.000000e+00 : f32
    %broadcast_in_dim3A_13 = vector.broadcast %broadcast_in_dim3A_12 : f32 to vector<16xf32>
    %get3A = arith.constant 0 : index
    %get3A_14 = tpu.vector_load %arg9[%get3A] {strides = array<i32>} : memref<128xf32, #tpu.memory_space<vmem>>, vector<16xf32>,
    %get3A_15 = arith.constant 16 : index
    %get3A_16 = tpu.vector_load %arg9[%get3A_15] {strides = array<i32>} : memref<128xf32, #tpu.memory_space<vmem>>, vector<16xf32>,
    %get3A_17 = arith.constant 32 : index
    %get3A_18 = tpu.vector_load %arg9[%get3A_17] {strides = array<i32>} : memref<128xf32, #tpu.memory_space<vmem>>, vector<16xf32>,
    %get3A_19 = arith.constant 48 : index
    %get3A_20 = tpu.vector_load %arg9[%get3A_19] {strides = array<i32>} : memref<128xf32, #tpu.memory_space<vmem>>, vector<16xf32>,
    %get3A_21 = arith.constant 64 : index
    %get3A_22 = tpu.vector_load %arg9[%get3A_21] {strides = array<i32>} : memref<128xf32, #tpu.memory_space<vmem>>, vector<16xf32>,
    %get3A_23 = arith.constant 80 : index
    %get3A_24 = tpu.vector_load %arg9[%get3A_23] {strides = array<i32>} : memref<128xf32, #tpu.memory_space<vmem>>, vector<16xf32>,
    %get3A_25 = arith.constant 96 : index
    %get3A_26 = tpu.vector_load %arg9[%get3A_25] {strides = array<i32>} : memref<128xf32, #tpu.memory_space<vmem>>, vector<16xf32>,
    %get3A_27 = arith.constant 112 : index
    %get3A_28 = tpu.vector_load %arg9[%get3A_27] {strides = array<i32>} : memref<128xf32, #tpu.memory_space<vmem>>, vector<16xf32>,
    %get3A_29 = arith.constant 0 : index
    %get3A_30 = tpu.vector_load %arg10[%get3A_29] {strides = array<i32>} : memref<128xf32, #tpu.memory_space<vmem>>, vector<16xf32>,
    %get3A_31 = arith.constant 16 : index
    %get3A_32 = tpu.vector_load %arg10[%get3A_31] {strides = array<i32>} : memref<128xf32, #tpu.memory_space<vmem>>, vector<16xf32>,
    %get3A_33 = arith.constant 32 : index
    %get3A_34 = tpu.vector_load %arg10[%get3A_33] {strides = array<i32>} : memref<128xf32, #tpu.memory_space<vmem>>, vector<16xf32>,
    %get3A_35 = arith.constant 48 : index
    %get3A_36 = tpu.vector_load %arg10[%get3A_35] {strides = array<i32>} : memref<128xf32, #tpu.memory_space<vmem>>, vector<16xf32>,
    %get3A_37 = arith.constant 64 : index
    %get3A_38 = tpu.vector_load %arg10[%get3A_37] {strides = array<i32>} : memref<128xf32, #tpu.memory_space<vmem>>, vector<16xf32>,
    %get3A_39 = arith.constant 80 : index
    %get3A_40 = tpu.vector_load %arg10[%get3A_39] {strides = array<i32>} : memref<128xf32, #tpu.memory_space<vmem>>, vector<16xf32>,
    %get3A_41 = arith.constant 96 : index
    %get3A_42 = tpu.vector_load %arg10[%get3A_41] {strides = array<i32>} : memref<128xf32, #tpu.memory_space<vmem>>, vector<16xf32>,
    %get3A_43 = arith.constant 112 : index
    %get3A_44 = tpu.vector_load %arg10[%get3A_43] {strides = array<i32>} : memref<128xf32, #tpu.memory_space<vmem>>, vector<16xf32>,
    %add3A_45 = arith.constant 0 : i32
    %add3A_46 = vector.broadcast %add3A_45 : i32 to vector<16xi32>
    %add3A_47 = arith.addi %add3A_46, %iota3A : vector<16xi32>
    %mul3A_48 = arith.constant 17 : i32
    %mul3A_49 = vector.broadcast %mul3A_48 : i32 to vector<16xi32>
    %mul3A_50 = arith.muli %add3A_47, %mul3A_49 : vector<16xi32>
    %add3A_51 = arith.constant 16 : i32
    %add3A_52 = vector.broadcast %add3A_51 : i32 to vector<16xi32>
    %add3A_53 = arith.addi %add3A_52, %iota3A : vector<16xi32>
    %mul3A_54 = arith.constant 17 : i32
    %mul3A_55 = vector.broadcast %mul3A_54 : i32 to vector<16xi32>
    %mul3A_56 = arith.muli %add3A_53, %mul3A_55 : vector<16xi32>
    %add3A_57 = arith.constant 32 : i32
    %add3A_58 = vector.broadcast %add3A_57 : i32 to vector<16xi32>
    %add3A_59 = arith.addi %add3A_58, %iota3A : vector<16xi32>
    %mul3A_60 = arith.constant 17 : i32
    %mul3A_61 = vector.broadcast %mul3A_60 : i32 to vector<16xi32>
    %mul3A_62 = arith.muli %add3A_59, %mul3A_61 : vector<16xi32>
    %add3A_63 = arith.constant 48 : i32
    %add3A_64 = vector.broadcast %add3A_63 : i32 to vector<16xi32>
    %add3A_65 = arith.addi %add3A_64, %iota3A : vector<16xi32>
    %mul3A_66 = arith.constant 17 : i32
    %mul3A_67 = vector.broadcast %mul3A_66 : i32 to vector<16xi32>
    %mul3A_68 = arith.muli %add3A_65, %mul3A_67 : vector<16xi32>
    %add3A_69 = arith.constant 64 : i32
    %add3A_70 = vector.broadcast %add3A_69 : i32 to vector<16xi32>
    %add3A_71 = arith.addi %add3A_70, %iota3A : vector<16xi32>
    %mul3A_72 = arith.constant 17 : i32
    %mul3A_73 = vector.broadcast %mul3A_72 : i32 to vector<16xi32>
    %mul3A_74 = arith.muli %add3A_71, %mul3A_73 : vector<16xi32>
    %add3A_75 = arith.constant 80 : i32
    %add3A_76 = vector.broadcast %add3A_75 : i32 to vector<16xi32>
    %add3A_77 = arith.addi %add3A_76, %iota3A : vector<16xi32>
    %mul3A_78 = arith.constant 17 : i32
    %mul3A_79 = vector.broadcast %mul3A_78 : i32 to vector<16xi32>
    %mul3A_80 = arith.muli %add3A_77, %mul3A_79 : vector<16xi32>
    %add3A_81 = arith.constant 96 : i32
    %add3A_82 = vector.broadcast %add3A_81 : i32 to vector<16xi32>
    %add3A_83 = arith.addi %add3A_82, %iota3A : vector<16xi32>
    %mul3A_84 = arith.constant 17 : i32
    %mul3A_85 = vector.broadcast %mul3A_84 : i32 to vector<16xi32>
    %mul3A_86 = arith.muli %add3A_83, %mul3A_85 : vector<16xi32>
    %add3A_87 = arith.constant 112 : i32
    %add3A_88 = vector.broadcast %add3A_87 : i32 to vector<16xi32>
    %add3A_89 = arith.addi %add3A_88, %iota3A : vector<16xi32>
    %mul3A_90 = arith.constant 17 : i32
    %mul3A_91 = vector.broadcast %mul3A_90 : i32 to vector<16xi32>
    %mul3A_92 = arith.muli %add3A_89, %mul3A_91 : vector<16xi32>
    %scan3A = arith.constant 0 : i32
    %scan3A_93 = arith.constant 0 : i32
    %scan3A_94 = arith.constant 10 : i32
    %scan3A_95 = arith.addi %scan3A_93, %scan3A_94 : i32
    %scan3A_96 = arith.constant 1 : i32
    scf.for %scan3A_105 = %scan3A_93 to %scan3A_95 step %scan3A_96  : i32 {
      %mul3A_106 = arith.constant 2 : i32
      %mul3A_107 = arith.muli %scan3A_105, %mul3A_106 : i32
      %add3A_108 = arith.constant 0 : i32
      %add3A_109 = arith.addi %mul3A_107, %add3A_108 : i32
      %mul3A_110 = arith.constant 320 : i32
      %mul3A_111 = arith.muli %add3A_109, %mul3A_110 : i32
      %add3A_112 = arith.addi %mul3A_2, %mul3A_111 : i32
      "tpu.region"() ({
        %run_scoped3A = tpu.sem_alloc : memref<!tpu.dma_semaphore, #tpu.memory_space<semaphore_mem>>
        %dma_start3A_146 = tpu.memref_slice %arg3[%add3A_112] : memref<204800xi32, #tpu.memory_space<hbm>> -> memref<320xi32, #tpu.memory_space<hbm>>
        %dma_start3A_147 = tpu.memref_slice %arg3[%add3A_112] : memref<204800xi32, #tpu.memory_space<hbm>> -> memref<320xi32, #tpu.memory_space<hbm>>
        tpu.enqueue_dma source(%dma_start3A_147 : memref<320xi32, #tpu.memory_space<hbm>>) target(%arg11 : memref<320xi32, #tpu.memory_space<vmem>>) target_semaphore(%run_scoped3A : memref<!tpu.dma_semaphore, #tpu.memory_space<semaphore_mem>>)
        %dma_wait3A_148 = tpu.memref_slice %arg3[%add3A_112] : memref<204800xi32, #tpu.memory_space<hbm>> -> memref<320xi32, #tpu.memory_space<hbm>>
        %dma_wait3A_149 = tpu.memref_slice %arg3[%add3A_112] : memref<204800xi32, #tpu.memory_space<hbm>> -> memref<320xi32, #tpu.memory_space<hbm>>
        tpu.wait_dma2 semaphore(%run_scoped3A : memref<!tpu.dma_semaphore, #tpu.memory_space<semaphore_mem>>) src(%dma_wait3A_149 : memref<320xi32, #tpu.memory_space<hbm>>) dst(%arg11 : memref<320xi32, #tpu.memory_space<vmem>>)
        tpu.yield
      }) : () -> ()
      "tpu.region"() ({
        %run_scoped3A = tpu.sem_alloc : memref<!tpu.dma_semaphore, #tpu.memory_space<semaphore_mem>>
        %dma_start3A_146 = tpu.memref_slice %arg4[%add3A_112] : memref<204800xi32, #tpu.memory_space<hbm>> -> memref<320xi32, #tpu.memory_space<hbm>>
        %dma_start3A_147 = tpu.memref_slice %arg4[%add3A_112] : memref<204800xi32, #tpu.memory_space<hbm>> -> memref<320xi32, #tpu.memory_space<hbm>>
        tpu.enqueue_dma source(%dma_start3A_147 : memref<320xi32, #tpu.memory_space<hbm>>) target(%arg12 : memref<320xi32, #tpu.memory_space<vmem>>) target_semaphore(%run_scoped3A : memref<!tpu.dma_semaphore, #tpu.memory_space<semaphore_mem>>)
        %dma_wait3A_148 = tpu.memref_slice %arg4[%add3A_112] : memref<204800xi32, #tpu.memory_space<hbm>> -> memref<320xi32, #tpu.memory_space<hbm>>
        %dma_wait3A_149 = tpu.memref_slice %arg4[%add3A_112] : memref<204800xi32, #tpu.memory_space<hbm>> -> memref<320xi32, #tpu.memory_space<hbm>>
        tpu.wait_dma2 semaphore(%run_scoped3A : memref<!tpu.dma_semaphore, #tpu.memory_space<semaphore_mem>>) src(%dma_wait3A_149 : memref<320xi32, #tpu.memory_space<hbm>>) dst(%arg12 : memref<320xi32, #tpu.memory_space<vmem>>)
        tpu.yield
      }) : () -> ()
      %ge3A = arith.constant 2 : i32
      %ge3A_113 = arith.cmpi sge, %add3A_109, %ge3A : i32
      %convert_element_type3A = arith.extui %ge3A_113 : i1 to i32
      %cond3A = arith.constant 0 : i32
      %cond3A_114 = arith.cmpi ne, %convert_element_type3A, %cond3A : i32
      scf.if %cond3A_114 {
        %dma_wait3A_146 = arith.constant 0 : i32
        %dma_wait3A_147 = tpu.memref_slice %arg7[%dma_wait3A_146] : memref<26214400xf32, #tpu.memory_space<hbm>> -> memref<40960xf32, #tpu.memory_space<hbm>>
        %dma_wait3A_148 = arith.constant 0 : i32
        %dma_wait3A_149 = tpu.memref_slice %arg7[%dma_wait3A_148] : memref<26214400xf32, #tpu.memory_space<hbm>> -> memref<40960xf32, #tpu.memory_space<hbm>>
        tpu.wait_dma2 semaphore(%arg16 : memref<!tpu.dma_semaphore, #tpu.memory_space<semaphore_mem>>) src(%arg14 : memref<40960xf32, #tpu.memory_space<vmem>>) dst(%dma_wait3A_149 : memref<40960xf32, #tpu.memory_space<hbm>>)
      } else {
      }
      %scan3A_115 = arith.constant 0 : i32
      %scan3A_116 = arith.constant 0 : i32
      %scan3A_117 = arith.constant 20 : i32
      %scan3A_118 = arith.addi %scan3A_116, %scan3A_117 : i32
      %scan3A_119 = arith.constant 1 : i32
      scf.for %scan3A_146 = %scan3A_116 to %scan3A_118 step %scan3A_119  : i32 {
        %mul3A_147 = arith.constant 16 : i32
        %mul3A_148 = arith.muli %scan3A_146, %mul3A_147 : i32
        %get3A_149 = arith.index_cast %mul3A_148 : i32 to index
        %get3A_150 = tpu.vector_load %arg11[%get3A_149] {strides = array<i32>} : memref<320xi32, #tpu.memory_space<vmem>>, vector<16xi32>,
        %mul3A_151 = arith.constant 65 : i32
        %mul3A_152 = vector.broadcast %mul3A_151 : i32 to vector<16xi32>
        %mul3A_153 = arith.muli %get3A_150, %mul3A_152 : vector<16xi32>
        %get3A_154 = arith.index_cast %mul3A_148 : i32 to index
        %get3A_155 = tpu.vector_load %arg12[%get3A_154] {strides = array<i32>} : memref<320xi32, #tpu.memory_space<vmem>>, vector<16xi32>,
        %mul3A_156 = arith.constant 65 : i32
        %mul3A_157 = vector.broadcast %mul3A_156 : i32 to vector<16xi32>
        %mul3A_158 = arith.muli %get3A_155, %mul3A_157 : vector<16xi32>
        %add3A_159 = arith.addi %add3A_112, %mul3A_148 : i32
        %add3A_160 = vector.broadcast %add3A_159 : i32 to vector<16xi32>
        %add3A_161 = arith.addi %iota3A, %add3A_160 : vector<16xi32>
        %rem3A = arith.constant 200 : i32
        %rem3A_162 = vector.broadcast %rem3A : i32 to vector<16xi32>
        %rem3A_163 = arith.remsi %add3A_161, %rem3A_162 : vector<16xi32>
        %mul3A_164 = arith.constant 65 : i32
        %mul3A_165 = vector.broadcast %mul3A_164 : i32 to vector<16xi32>
        %mul3A_166 = arith.muli %rem3A_163, %mul3A_165 : vector<16xi32>
        %parallel_loop3A = arith.constant 0 : i32
        %parallel_loop3A_167 = arith.constant 64 : i32
        %parallel_loop3A_168 = arith.constant 1 : i32
        %parallel_loop3A_169:6 = scf.for %parallel_loop3A_214 = %parallel_loop3A to %parallel_loop3A_167 step %parallel_loop3A_168 iter_args(%parallel_loop3A_215 = %broadcast_in_dim3A_13, %parallel_loop3A_216 = %broadcast_in_dim3A_13, %parallel_loop3A_217 = %mul3A_166, %parallel_loop3A_218 = %mul3A_153, %parallel_loop3A_219 = %mul3A_158, %parallel_loop3A_220 = %iota3A) -> (vector<16xf32>, vector<16xf32>, vector<16xi32>, vector<16xi32>, vector<16xi32>, vector<16xi32>)  : i32 {
          %parallel_loop3A_221 = tpu.vector_load_idx %arg8[%parallel_loop3A_217] : memref<13000xi32, #tpu.memory_space<vmem>>[vector<16xi32>], vector<16xi32>,
          %parallel_loop3A_222 = vector.bitcast %parallel_loop3A_221 : vector<16xi32> to vector<32xbf16>
          %parallel_loop3A_223 = tpu.unpack_subelements %parallel_loop3A_222, 0 {pack_format = #tpu.pack_format<interleaved>} : vector<32xbf16> -> vector<16xf32>
          %parallel_loop3A_224 = tpu.unpack_subelements %parallel_loop3A_222, 1 {pack_format = #tpu.pack_format<interleaved>} : vector<32xbf16> -> vector<16xf32>
          %parallel_loop3A_225 = tpu.vector_load_idx %arg8[%parallel_loop3A_218] : memref<13000xi32, #tpu.memory_space<vmem>>[vector<16xi32>], vector<16xi32>,
          %parallel_loop3A_226 = vector.bitcast %parallel_loop3A_225 : vector<16xi32> to vector<32xbf16>
          %parallel_loop3A_227 = tpu.unpack_subelements %parallel_loop3A_226, 0 {pack_format = #tpu.pack_format<interleaved>} : vector<32xbf16> -> vector<16xf32>
          %parallel_loop3A_228 = tpu.unpack_subelements %parallel_loop3A_226, 1 {pack_format = #tpu.pack_format<interleaved>} : vector<32xbf16> -> vector<16xf32>
          %parallel_loop3A_229 = tpu.vector_load_idx %arg8[%parallel_loop3A_219] : memref<13000xi32, #tpu.memory_space<vmem>>[vector<16xi32>], vector<16xi32>,
          %parallel_loop3A_230 = vector.bitcast %parallel_loop3A_229 : vector<16xi32> to vector<32xbf16>
          %parallel_loop3A_231 = tpu.unpack_subelements %parallel_loop3A_230, 0 {pack_format = #tpu.pack_format<interleaved>} : vector<32xbf16> -> vector<16xf32>
          %parallel_loop3A_232 = tpu.unpack_subelements %parallel_loop3A_230, 1 {pack_format = #tpu.pack_format<interleaved>} : vector<32xbf16> -> vector<16xf32>
          %parallel_loop3A_233 = arith.addf %parallel_loop3A_227, %parallel_loop3A_231 : vector<16xf32>
          %parallel_loop3A_234 = arith.mulf %broadcast_in_dim3A_3, %parallel_loop3A_233 : vector<16xf32>
          %parallel_loop3A_235 = arith.addf %parallel_loop3A_223, %parallel_loop3A_234 : vector<16xf32>
          %parallel_loop3A_236 = arith.addf %parallel_loop3A_228, %parallel_loop3A_232 : vector<16xf32>
          %parallel_loop3A_237 = arith.mulf %broadcast_in_dim3A_3, %parallel_loop3A_236 : vector<16xf32>
          %parallel_loop3A_238 = arith.addf %parallel_loop3A_224, %parallel_loop3A_237 : vector<16xf32>
          tpu.vector_store_idx %arg13[%parallel_loop3A_220], %parallel_loop3A_235 : memref<2176xf32, #tpu.memory_space<vmem>>[vector<16xi32>], vector<16xf32>,
          %parallel_loop3A_239 = arith.addi %parallel_loop3A_220, %broadcast_in_dim3A_9 : vector<16xi32>
          tpu.vector_store_idx %arg13[%parallel_loop3A_239], %parallel_loop3A_238 : memref<2176xf32, #tpu.memory_space<vmem>>[vector<16xi32>], vector<16xf32>,
          %parallel_loop3A_240 = arith.addf %parallel_loop3A_235, %parallel_loop3A_238 : vector<16xf32>
          %parallel_loop3A_241 = arith.addf %parallel_loop3A_215, %parallel_loop3A_240 : vector<16xf32>
          %parallel_loop3A_242 = arith.mulf %parallel_loop3A_235, %parallel_loop3A_235 : vector<16xf32>
          %parallel_loop3A_243 = arith.mulf %parallel_loop3A_238, %parallel_loop3A_238 : vector<16xf32>
          %parallel_loop3A_244 = arith.addf %parallel_loop3A_242, %parallel_loop3A_243 : vector<16xf32>
          %parallel_loop3A_245 = arith.addf %parallel_loop3A_216, %parallel_loop3A_244 : vector<16xf32>
          %parallel_loop3A_246 = arith.addi %parallel_loop3A_217, %broadcast_in_dim3A_5 : vector<16xi32>
          %parallel_loop3A_247 = arith.addi %parallel_loop3A_218, %broadcast_in_dim3A_5 : vector<16xi32>
          %parallel_loop3A_248 = arith.addi %parallel_loop3A_219, %broadcast_in_dim3A_5 : vector<16xi32>
          %parallel_loop3A_249 = arith.addi %parallel_loop3A_220, %broadcast_in_dim3A_7 : vector<16xi32>
          scf.yield %parallel_loop3A_241, %parallel_loop3A_245, %parallel_loop3A_246, %parallel_loop3A_247, %parallel_loop3A_248, %parallel_loop3A_249 : vector<16xf32>, vector<16xf32>, vector<16xi32>, vector<16xi32>, vector<16xi32>, vector<16xi32>
        } {sc.loop_unroll_factor = 8 : i64, sc.parallel_access}
        %mul3A_170 = arith.constant 7.812500e-03 : f32
        %mul3A_171 = vector.broadcast %mul3A_170 : f32 to vector<16xf32>
        %mul3A_172 = arith.mulf %parallel_loop3A_169#0, %mul3A_171 : vector<16xf32>
        %mul3A_173 = arith.constant 7.812500e-03 : f32
        %mul3A_174 = vector.broadcast %mul3A_173 : f32 to vector<16xf32>
        %mul3A_175 = arith.mulf %parallel_loop3A_169#1, %mul3A_174 : vector<16xf32>
        %mul3A_176 = arith.mulf %mul3A_172, %mul3A_172 : vector<16xf32>
        %sub3A = arith.subf %mul3A_175, %mul3A_176 : vector<16xf32>
        %add3A_177 = arith.constant 9.99999996E-13 : f32
        %add3A_178 = vector.broadcast %add3A_177 : f32 to vector<16xf32>
        %add3A_179 = arith.addf %sub3A, %add3A_178 : vector<16xf32>
        %bitcast3A = vector.bitcast %add3A_179 : vector<16xf32> to vector<16xi32>
        %shift_right_arithmetic3A = arith.constant 1 : i32
        %shift_right_arithmetic3A_180 = vector.broadcast %shift_right_arithmetic3A : i32 to vector<16xi32>
        %shift_right_arithmetic3A_181 = arith.shrsi %bitcast3A, %shift_right_arithmetic3A_180 : vector<16xi32>
        %sub3A_182 = arith.subi %broadcast_in_dim3A_11, %shift_right_arithmetic3A_181 : vector<16xi32>
        %bitcast3A_183 = vector.bitcast %sub3A_182 : vector<16xi32> to vector<16xf32>
        %mul3A_184 = arith.constant 5.000000e-01 : f32
        %mul3A_185 = vector.broadcast %mul3A_184 : f32 to vector<16xf32>
        %mul3A_186 = arith.mulf %mul3A_185, %add3A_179 : vector<16xf32>
        %mul3A_187 = arith.mulf %mul3A_186, %bitcast3A_183 : vector<16xf32>
        %mul3A_188 = arith.mulf %mul3A_187, %bitcast3A_183 : vector<16xf32>
        %sub3A_189 = arith.constant 1.500000e+00 : f32
        %sub3A_190 = vector.broadcast %sub3A_189 : f32 to vector<16xf32>
        %sub3A_191 = arith.subf %sub3A_190, %mul3A_188 : vector<16xf32>
        %mul3A_192 = arith.mulf %bitcast3A_183, %sub3A_191 : vector<16xf32>
        %mul3A_193 = arith.constant 5.000000e-01 : f32
        %mul3A_194 = vector.broadcast %mul3A_193 : f32 to vector<16xf32>
        %mul3A_195 = arith.mulf %mul3A_194, %add3A_179 : vector<16xf32>
        %mul3A_196 = arith.mulf %mul3A_195, %mul3A_192 : vector<16xf32>
        %mul3A_197 = arith.mulf %mul3A_196, %mul3A_192 : vector<16xf32>
        %sub3A_198 = arith.constant 1.500000e+00 : f32
        %sub3A_199 = vector.broadcast %sub3A_198 : f32 to vector<16xf32>
        %sub3A_200 = arith.subf %sub3A_199, %mul3A_197 : vector<16xf32>
        %mul3A_201 = arith.mulf %mul3A_192, %sub3A_200 : vector<16xf32>
        %mul3A_202 = arith.constant 5.000000e-01 : f32
        %mul3A_203 = vector.broadcast %mul3A_202 : f32 to vector<16xf32>
        %mul3A_204 = arith.mulf %mul3A_203, %add3A_179 : vector<16xf32>
        %mul3A_205 = arith.mulf %mul3A_204, %mul3A_201 : vector<16xf32>
        %mul3A_206 = arith.mulf %mul3A_205, %mul3A_201 : vector<16xf32>
        %sub3A_207 = arith.constant 1.500000e+00 : f32
        %sub3A_208 = vector.broadcast %sub3A_207 : f32 to vector<16xf32>
        %sub3A_209 = arith.subf %sub3A_208, %mul3A_206 : vector<16xf32>
        %mul3A_210 = arith.mulf %mul3A_201, %sub3A_209 : vector<16xf32>
        %parallel_loop3A_211 = arith.constant 0 : i32
        %parallel_loop3A_212 = arith.constant 16 : i32
        %parallel_loop3A_213 = arith.constant 1 : i32
        scf.for %parallel_loop3A_214 = %parallel_loop3A_211 to %parallel_loop3A_212 step %parallel_loop3A_213  : i32 {
          %parallel_loop3A_215 = arith.constant 0 : i32
          %parallel_loop3A_216 = vector.broadcast %parallel_loop3A_215 : i32 to vector<16xi32>
          %parallel_loop3A_217 = vector.broadcast %parallel_loop3A_214 : i32 to vector<16xi32>
          %parallel_loop3A_218 = arith.addi %parallel_loop3A_216, %parallel_loop3A_217 : vector<16xi32>
          %parallel_loop3A_219 = vector.shape_cast %parallel_loop3A_218 : vector<16xi32> to vector<16x1xi32>
          %parallel_loop3A_220 = vector.shape_cast %parallel_loop3A_219 : vector<16x1xi32> to vector<16xi32>
          %parallel_loop3A_221 = tpu.dynamic_gather %mul3A_172[%parallel_loop3A_220] in [0] : vector<16xf32>, vector<16xi32> -> vector<16xf32>
          %parallel_loop3A_222 = vector.shape_cast %parallel_loop3A_218 : vector<16xi32> to vector<16x1xi32>
          %parallel_loop3A_223 = vector.shape_cast %parallel_loop3A_222 : vector<16x1xi32> to vector<16xi32>
          %parallel_loop3A_224 = tpu.dynamic_gather %mul3A_210[%parallel_loop3A_223] in [0] : vector<16xf32>, vector<16xi32> -> vector<16xf32>
          %parallel_loop3A_225 = arith.addi %mul3A_148, %parallel_loop3A_214 : i32
          %parallel_loop3A_226 = arith.constant 128 : i32
          %parallel_loop3A_227 = arith.muli %parallel_loop3A_225, %parallel_loop3A_226 : i32
          %parallel_loop3A_228 = arith.addi %mul3A_50, %parallel_loop3A_218 : vector<16xi32>
          %parallel_loop3A_229 = tpu.vector_load_idx %arg13[%parallel_loop3A_228] : memref<2176xf32, #tpu.memory_space<vmem>>[vector<16xi32>], vector<16xf32>,
          %parallel_loop3A_230 = arith.subf %parallel_loop3A_229, %parallel_loop3A_221 : vector<16xf32>
          %parallel_loop3A_231 = arith.mulf %parallel_loop3A_230, %parallel_loop3A_224 : vector<16xf32>
          %parallel_loop3A_232 = arith.mulf %parallel_loop3A_231, %get3A_14 : vector<16xf32>
          %parallel_loop3A_233 = arith.addf %parallel_loop3A_232, %get3A_30 : vector<16xf32>
          %parallel_loop3A_234 = arith.constant 0 : i32
          %parallel_loop3A_235 = arith.addi %parallel_loop3A_227, %parallel_loop3A_234 : i32
          %parallel_loop3A_236 = arith.index_cast %parallel_loop3A_235 : i32 to index
          %parallel_loop3A_237 = tpu.vector_load %arg14[%parallel_loop3A_236] {strides = array<i32>} : memref<40960xf32, #tpu.memory_space<vmem>>, vector<16xf32>,
          tpu.vector_store %arg14[%parallel_loop3A_236], %parallel_loop3A_233 {strides = array<i32>} : memref<40960xf32, #tpu.memory_space<vmem>>, vector<16xf32>,
          %parallel_loop3A_238 = arith.addi %mul3A_56, %parallel_loop3A_218 : vector<16xi32>
          %parallel_loop3A_239 = tpu.vector_load_idx %arg13[%parallel_loop3A_238] : memref<2176xf32, #tpu.memory_space<vmem>>[vector<16xi32>], vector<16xf32>,
          %parallel_loop3A_240 = arith.subf %parallel_loop3A_239, %parallel_loop3A_221 : vector<16xf32>
          %parallel_loop3A_241 = arith.mulf %parallel_loop3A_240, %parallel_loop3A_224 : vector<16xf32>
          %parallel_loop3A_242 = arith.mulf %parallel_loop3A_241, %get3A_16 : vector<16xf32>
          %parallel_loop3A_243 = arith.addf %parallel_loop3A_242, %get3A_32 : vector<16xf32>
          %parallel_loop3A_244 = arith.constant 16 : i32
          %parallel_loop3A_245 = arith.addi %parallel_loop3A_227, %parallel_loop3A_244 : i32
          %parallel_loop3A_246 = arith.index_cast %parallel_loop3A_245 : i32 to index
          %parallel_loop3A_247 = tpu.vector_load %arg14[%parallel_loop3A_246] {strides = array<i32>} : memref<40960xf32, #tpu.memory_space<vmem>>, vector<16xf32>,
          tpu.vector_store %arg14[%parallel_loop3A_246], %parallel_loop3A_243 {strides = array<i32>} : memref<40960xf32, #tpu.memory_space<vmem>>, vector<16xf32>,
          %parallel_loop3A_248 = arith.addi %mul3A_62, %parallel_loop3A_218 : vector<16xi32>
          %parallel_loop3A_249 = tpu.vector_load_idx %arg13[%parallel_loop3A_248] : memref<2176xf32, #tpu.memory_space<vmem>>[vector<16xi32>], vector<16xf32>,
          %parallel_loop3A_250 = arith.subf %parallel_loop3A_249, %parallel_loop3A_221 : vector<16xf32>
          %parallel_loop3A_251 = arith.mulf %parallel_loop3A_250, %parallel_loop3A_224 : vector<16xf32>
          %parallel_loop3A_252 = arith.mulf %parallel_loop3A_251, %get3A_18 : vector<16xf32>
          %parallel_loop3A_253 = arith.addf %parallel_loop3A_252, %get3A_34 : vector<16xf32>
          %parallel_loop3A_254 = arith.constant 32 : i32
          %parallel_loop3A_255 = arith.addi %parallel_loop3A_227, %parallel_loop3A_254 : i32
          %parallel_loop3A_256 = arith.index_cast %parallel_loop3A_255 : i32 to index
          %parallel_loop3A_257 = tpu.vector_load %arg14[%parallel_loop3A_256] {strides = array<i32>} : memref<40960xf32, #tpu.memory_space<vmem>>, vector<16xf32>,
          tpu.vector_store %arg14[%parallel_loop3A_256], %parallel_loop3A_253 {strides = array<i32>} : memref<40960xf32, #tpu.memory_space<vmem>>, vector<16xf32>,
          %parallel_loop3A_258 = arith.addi %mul3A_68, %parallel_loop3A_218 : vector<16xi32>
          %parallel_loop3A_259 = tpu.vector_load_idx %arg13[%parallel_loop3A_258] : memref<2176xf32, #tpu.memory_space<vmem>>[vector<16xi32>], vector<16xf32>,
          %parallel_loop3A_260 = arith.subf %parallel_loop3A_259, %parallel_loop3A_221 : vector<16xf32>
          %parallel_loop3A_261 = arith.mulf %parallel_loop3A_260, %parallel_loop3A_224 : vector<16xf32>
          %parallel_loop3A_262 = arith.mulf %parallel_loop3A_261, %get3A_20 : vector<16xf32>
          %parallel_loop3A_263 = arith.addf %parallel_loop3A_262, %get3A_36 : vector<16xf32>
          %parallel_loop3A_264 = arith.constant 48 : i32
          %parallel_loop3A_265 = arith.addi %parallel_loop3A_227, %parallel_loop3A_264 : i32
          %parallel_loop3A_266 = arith.index_cast %parallel_loop3A_265 : i32 to index
          %parallel_loop3A_267 = tpu.vector_load %arg14[%parallel_loop3A_266] {strides = array<i32>} : memref<40960xf32, #tpu.memory_space<vmem>>, vector<16xf32>,
          tpu.vector_store %arg14[%parallel_loop3A_266], %parallel_loop3A_263 {strides = array<i32>} : memref<40960xf32, #tpu.memory_space<vmem>>, vector<16xf32>,
          %parallel_loop3A_268 = arith.addi %mul3A_74, %parallel_loop3A_218 : vector<16xi32>
          %parallel_loop3A_269 = tpu.vector_load_idx %arg13[%parallel_loop3A_268] : memref<2176xf32, #tpu.memory_space<vmem>>[vector<16xi32>], vector<16xf32>,
          %parallel_loop3A_270 = arith.subf %parallel_loop3A_269, %parallel_loop3A_221 : vector<16xf32>
          %parallel_loop3A_271 = arith.mulf %parallel_loop3A_270, %parallel_loop3A_224 : vector<16xf32>
          %parallel_loop3A_272 = arith.mulf %parallel_loop3A_271, %get3A_22 : vector<16xf32>
          %parallel_loop3A_273 = arith.addf %parallel_loop3A_272, %get3A_38 : vector<16xf32>
          %parallel_loop3A_274 = arith.constant 64 : i32
          %parallel_loop3A_275 = arith.addi %parallel_loop3A_227, %parallel_loop3A_274 : i32
          %parallel_loop3A_276 = arith.index_cast %parallel_loop3A_275 : i32 to index
          %parallel_loop3A_277 = tpu.vector_load %arg14[%parallel_loop3A_276] {strides = array<i32>} : memref<40960xf32, #tpu.memory_space<vmem>>, vector<16xf32>,
          tpu.vector_store %arg14[%parallel_loop3A_276], %parallel_loop3A_273 {strides = array<i32>} : memref<40960xf32, #tpu.memory_space<vmem>>, vector<16xf32>,
          %parallel_loop3A_278 = arith.addi %mul3A_80, %parallel_loop3A_218 : vector<16xi32>
          %parallel_loop3A_279 = tpu.vector_load_idx %arg13[%parallel_loop3A_278] : memref<2176xf32, #tpu.memory_space<vmem>>[vector<16xi32>], vector<16xf32>,
          %parallel_loop3A_280 = arith.subf %parallel_loop3A_279, %parallel_loop3A_221 : vector<16xf32>
          %parallel_loop3A_281 = arith.mulf %parallel_loop3A_280, %parallel_loop3A_224 : vector<16xf32>
          %parallel_loop3A_282 = arith.mulf %parallel_loop3A_281, %get3A_24 : vector<16xf32>
          %parallel_loop3A_283 = arith.addf %parallel_loop3A_282, %get3A_40 : vector<16xf32>
          %parallel_loop3A_284 = arith.constant 80 : i32
          %parallel_loop3A_285 = arith.addi %parallel_loop3A_227, %parallel_loop3A_284 : i32
          %parallel_loop3A_286 = arith.index_cast %parallel_loop3A_285 : i32 to index
          %parallel_loop3A_287 = tpu.vector_load %arg14[%parallel_loop3A_286] {strides = array<i32>} : memref<40960xf32, #tpu.memory_space<vmem>>, vector<16xf32>,
          tpu.vector_store %arg14[%parallel_loop3A_286], %parallel_loop3A_283 {strides = array<i32>} : memref<40960xf32, #tpu.memory_space<vmem>>, vector<16xf32>,
          %parallel_loop3A_288 = arith.addi %mul3A_86, %parallel_loop3A_218 : vector<16xi32>
          %parallel_loop3A_289 = tpu.vector_load_idx %arg13[%parallel_loop3A_288] : memref<2176xf32, #tpu.memory_space<vmem>>[vector<16xi32>], vector<16xf32>,
          %parallel_loop3A_290 = arith.subf %parallel_loop3A_289, %parallel_loop3A_221 : vector<16xf32>
          %parallel_loop3A_291 = arith.mulf %parallel_loop3A_290, %parallel_loop3A_224 : vector<16xf32>
          %parallel_loop3A_292 = arith.mulf %parallel_loop3A_291, %get3A_26 : vector<16xf32>
          %parallel_loop3A_293 = arith.addf %parallel_loop3A_292, %get3A_42 : vector<16xf32>
          %parallel_loop3A_294 = arith.constant 96 : i32
          %parallel_loop3A_295 = arith.addi %parallel_loop3A_227, %parallel_loop3A_294 : i32
          %parallel_loop3A_296 = arith.index_cast %parallel_loop3A_295 : i32 to index
          %parallel_loop3A_297 = tpu.vector_load %arg14[%parallel_loop3A_296] {strides = array<i32>} : memref<40960xf32, #tpu.memory_space<vmem>>, vector<16xf32>,
          tpu.vector_store %arg14[%parallel_loop3A_296], %parallel_loop3A_293 {strides = array<i32>} : memref<40960xf32, #tpu.memory_space<vmem>>, vector<16xf32>,
          %parallel_loop3A_298 = arith.addi %mul3A_92, %parallel_loop3A_218 : vector<16xi32>
          %parallel_loop3A_299 = tpu.vector_load_idx %arg13[%parallel_loop3A_298] : memref<2176xf32, #tpu.memory_space<vmem>>[vector<16xi32>], vector<16xf32>,
          %parallel_loop3A_300 = arith.subf %parallel_loop3A_299, %parallel_loop3A_221 : vector<16xf32>
          %parallel_loop3A_301 = arith.mulf %parallel_loop3A_300, %parallel_loop3A_224 : vector<16xf32>
          %parallel_loop3A_302 = arith.mulf %parallel_loop3A_301, %get3A_28 : vector<16xf32>
          %parallel_loop3A_303 = arith.addf %parallel_loop3A_302, %get3A_44 : vector<16xf32>
          %parallel_loop3A_304 = arith.constant 112 : i32
          %parallel_loop3A_305 = arith.addi %parallel_loop3A_227, %parallel_loop3A_304 : i32
          %parallel_loop3A_306 = arith.index_cast %parallel_loop3A_305 : i32 to index
          %parallel_loop3A_307 = tpu.vector_load %arg14[%parallel_loop3A_306] {strides = array<i32>} : memref<40960xf32, #tpu.memory_space<vmem>>, vector<16xf32>,
          tpu.vector_store %arg14[%parallel_loop3A_306], %parallel_loop3A_303 {strides = array<i32>} : memref<40960xf32, #tpu.memory_space<vmem>>, vector<16xf32>,
        } {sc.loop_unroll_factor = 2 : i64, sc.parallel_access}
      }
      %scan3A_120 = arith.constant 20 : i32
      %mul3A_121 = arith.constant 128 : i32
      %mul3A_122 = arith.muli %add3A_112, %mul3A_121 : i32
      %dma_start3A = tpu.memref_slice %arg7[%mul3A_122] : memref<26214400xf32, #tpu.memory_space<hbm>> -> memref<40960xf32, #tpu.memory_space<hbm>>
      %dma_start3A_123 = tpu.memref_slice %arg7[%mul3A_122] : memref<26214400xf32, #tpu.memory_space<hbm>> -> memref<40960xf32, #tpu.memory_space<hbm>>
      tpu.enqueue_dma source(%arg14 : memref<40960xf32, #tpu.memory_space<vmem>>) target(%dma_start3A_123 : memref<40960xf32, #tpu.memory_space<hbm>>) target_semaphore(%arg16 : memref<!tpu.dma_semaphore, #tpu.memory_space<semaphore_mem>>)
      %mul3A_124 = arith.constant 2 : i32
      %mul3A_125 = arith.muli %scan3A_105, %mul3A_124 : i32
      %add3A_126 = arith.constant 1 : i32
      %add3A_127 = arith.addi %mul3A_125, %add3A_126 : i32
      %mul3A_128 = arith.constant 320 : i32
      %mul3A_129 = arith.muli %add3A_127, %mul3A_128 : i32
      %add3A_130 = arith.addi %mul3A_2, %mul3A_129 : i32
      "tpu.region"() ({
        %run_scoped3A = tpu.sem_alloc : memref<!tpu.dma_semaphore, #tpu.memory_space<semaphore_mem>>
        %dma_start3A_146 = tpu.memref_slice %arg3[%add3A_130] : memref<204800xi32, #tpu.memory_space<hbm>> -> memref<320xi32, #tpu.memory_space<hbm>>
        %dma_start3A_147 = tpu.memref_slice %arg3[%add3A_130] : memref<204800xi32, #tpu.memory_space<hbm>> -> memref<320xi32, #tpu.memory_space<hbm>>
        tpu.enqueue_dma source(%dma_start3A_147 : memref<320xi32, #tpu.memory_space<hbm>>) target(%arg11 : memref<320xi32, #tpu.memory_space<vmem>>) target_semaphore(%run_scoped3A : memref<!tpu.dma_semaphore, #tpu.memory_space<semaphore_mem>>)
        %dma_wait3A_148 = tpu.memref_slice %arg3[%add3A_130] : memref<204800xi32, #tpu.memory_space<hbm>> -> memref<320xi32, #tpu.memory_space<hbm>>
        %dma_wait3A_149 = tpu.memref_slice %arg3[%add3A_130] : memref<204800xi32, #tpu.memory_space<hbm>> -> memref<320xi32, #tpu.memory_space<hbm>>
        tpu.wait_dma2 semaphore(%run_scoped3A : memref<!tpu.dma_semaphore, #tpu.memory_space<semaphore_mem>>) src(%dma_wait3A_149 : memref<320xi32, #tpu.memory_space<hbm>>) dst(%arg11 : memref<320xi32, #tpu.memory_space<vmem>>)
        tpu.yield
      }) : () -> ()
      "tpu.region"() ({
        %run_scoped3A = tpu.sem_alloc : memref<!tpu.dma_semaphore, #tpu.memory_space<semaphore_mem>>
        %dma_start3A_146 = tpu.memref_slice %arg4[%add3A_130] : memref<204800xi32, #tpu.memory_space<hbm>> -> memref<320xi32, #tpu.memory_space<hbm>>
        %dma_start3A_147 = tpu.memref_slice %arg4[%add3A_130] : memref<204800xi32, #tpu.memory_space<hbm>> -> memref<320xi32, #tpu.memory_space<hbm>>
        tpu.enqueue_dma source(%dma_start3A_147 : memref<320xi32, #tpu.memory_space<hbm>>) target(%arg12 : memref<320xi32, #tpu.memory_space<vmem>>) target_semaphore(%run_scoped3A : memref<!tpu.dma_semaphore, #tpu.memory_space<semaphore_mem>>)
        %dma_wait3A_148 = tpu.memref_slice %arg4[%add3A_130] : memref<204800xi32, #tpu.memory_space<hbm>> -> memref<320xi32, #tpu.memory_space<hbm>>
        %dma_wait3A_149 = tpu.memref_slice %arg4[%add3A_130] : memref<204800xi32, #tpu.memory_space<hbm>> -> memref<320xi32, #tpu.memory_space<hbm>>
        tpu.wait_dma2 semaphore(%run_scoped3A : memref<!tpu.dma_semaphore, #tpu.memory_space<semaphore_mem>>) src(%dma_wait3A_149 : memref<320xi32, #tpu.memory_space<hbm>>) dst(%arg12 : memref<320xi32, #tpu.memory_space<vmem>>)
        tpu.yield
      }) : () -> ()
      %ge3A_131 = arith.constant 2 : i32
      %ge3A_132 = arith.cmpi sge, %add3A_127, %ge3A_131 : i32
      %convert_element_type3A_133 = arith.extui %ge3A_132 : i1 to i32
      %cond3A_134 = arith.constant 0 : i32
      %cond3A_135 = arith.cmpi ne, %convert_element_type3A_133, %cond3A_134 : i32
      scf.if %cond3A_135 {
        %dma_wait3A_146 = arith.constant 0 : i32
        %dma_wait3A_147 = tpu.memref_slice %arg7[%dma_wait3A_146] : memref<26214400xf32, #tpu.memory_space<hbm>> -> memref<40960xf32, #tpu.memory_space<hbm>>
        %dma_wait3A_148 = arith.constant 0 : i32
        %dma_wait3A_149 = tpu.memref_slice %arg7[%dma_wait3A_148] : memref<26214400xf32, #tpu.memory_space<hbm>> -> memref<40960xf32, #tpu.memory_space<hbm>>
        tpu.wait_dma2 semaphore(%arg17 : memref<!tpu.dma_semaphore, #tpu.memory_space<semaphore_mem>>) src(%arg15 : memref<40960xf32, #tpu.memory_space<vmem>>) dst(%dma_wait3A_149 : memref<40960xf32, #tpu.memory_space<hbm>>)
      } else {
      }
      %scan3A_136 = arith.constant 0 : i32
      %scan3A_137 = arith.constant 0 : i32
      %scan3A_138 = arith.constant 20 : i32
      %scan3A_139 = arith.addi %scan3A_137, %scan3A_138 : i32
      %scan3A_140 = arith.constant 1 : i32
      scf.for %scan3A_146 = %scan3A_137 to %scan3A_139 step %scan3A_140  : i32 {
        %mul3A_147 = arith.constant 16 : i32
        %mul3A_148 = arith.muli %scan3A_146, %mul3A_147 : i32
        %get3A_149 = arith.index_cast %mul3A_148 : i32 to index
        %get3A_150 = tpu.vector_load %arg11[%get3A_149] {strides = array<i32>} : memref<320xi32, #tpu.memory_space<vmem>>, vector<16xi32>,
        %mul3A_151 = arith.constant 65 : i32
        %mul3A_152 = vector.broadcast %mul3A_151 : i32 to vector<16xi32>
        %mul3A_153 = arith.muli %get3A_150, %mul3A_152 : vector<16xi32>
        %get3A_154 = arith.index_cast %mul3A_148 : i32 to index
        %get3A_155 = tpu.vector_load %arg12[%get3A_154] {strides = array<i32>} : memref<320xi32, #tpu.memory_space<vmem>>, vector<16xi32>,
        %mul3A_156 = arith.constant 65 : i32
        %mul3A_157 = vector.broadcast %mul3A_156 : i32 to vector<16xi32>
        %mul3A_158 = arith.muli %get3A_155, %mul3A_157 : vector<16xi32>
        %add3A_159 = arith.addi %add3A_130, %mul3A_148 : i32
        %add3A_160 = vector.broadcast %add3A_159 : i32 to vector<16xi32>
        %add3A_161 = arith.addi %iota3A, %add3A_160 : vector<16xi32>
        %rem3A = arith.constant 200 : i32
        %rem3A_162 = vector.broadcast %rem3A : i32 to vector<16xi32>
        %rem3A_163 = arith.remsi %add3A_161, %rem3A_162 : vector<16xi32>
        %mul3A_164 = arith.constant 65 : i32
        %mul3A_165 = vector.broadcast %mul3A_164 : i32 to vector<16xi32>
        %mul3A_166 = arith.muli %rem3A_163, %mul3A_165 : vector<16xi32>
        %parallel_loop3A = arith.constant 0 : i32
        %parallel_loop3A_167 = arith.constant 64 : i32
        %parallel_loop3A_168 = arith.constant 1 : i32
        %parallel_loop3A_169:6 = scf.for %parallel_loop3A_214 = %parallel_loop3A to %parallel_loop3A_167 step %parallel_loop3A_168 iter_args(%parallel_loop3A_215 = %broadcast_in_dim3A_13, %parallel_loop3A_216 = %broadcast_in_dim3A_13, %parallel_loop3A_217 = %mul3A_166, %parallel_loop3A_218 = %mul3A_153, %parallel_loop3A_219 = %mul3A_158, %parallel_loop3A_220 = %iota3A) -> (vector<16xf32>, vector<16xf32>, vector<16xi32>, vector<16xi32>, vector<16xi32>, vector<16xi32>)  : i32 {
          %parallel_loop3A_221 = tpu.vector_load_idx %arg8[%parallel_loop3A_217] : memref<13000xi32, #tpu.memory_space<vmem>>[vector<16xi32>], vector<16xi32>,
          %parallel_loop3A_222 = vector.bitcast %parallel_loop3A_221 : vector<16xi32> to vector<32xbf16>
          %parallel_loop3A_223 = tpu.unpack_subelements %parallel_loop3A_222, 0 {pack_format = #tpu.pack_format<interleaved>} : vector<32xbf16> -> vector<16xf32>
          %parallel_loop3A_224 = tpu.unpack_subelements %parallel_loop3A_222, 1 {pack_format = #tpu.pack_format<interleaved>} : vector<32xbf16> -> vector<16xf32>
          %parallel_loop3A_225 = tpu.vector_load_idx %arg8[%parallel_loop3A_218] : memref<13000xi32, #tpu.memory_space<vmem>>[vector<16xi32>], vector<16xi32>,
          %parallel_loop3A_226 = vector.bitcast %parallel_loop3A_225 : vector<16xi32> to vector<32xbf16>
          %parallel_loop3A_227 = tpu.unpack_subelements %parallel_loop3A_226, 0 {pack_format = #tpu.pack_format<interleaved>} : vector<32xbf16> -> vector<16xf32>
          %parallel_loop3A_228 = tpu.unpack_subelements %parallel_loop3A_226, 1 {pack_format = #tpu.pack_format<interleaved>} : vector<32xbf16> -> vector<16xf32>
          %parallel_loop3A_229 = tpu.vector_load_idx %arg8[%parallel_loop3A_219] : memref<13000xi32, #tpu.memory_space<vmem>>[vector<16xi32>], vector<16xi32>,
          %parallel_loop3A_230 = vector.bitcast %parallel_loop3A_229 : vector<16xi32> to vector<32xbf16>
          %parallel_loop3A_231 = tpu.unpack_subelements %parallel_loop3A_230, 0 {pack_format = #tpu.pack_format<interleaved>} : vector<32xbf16> -> vector<16xf32>
          %parallel_loop3A_232 = tpu.unpack_subelements %parallel_loop3A_230, 1 {pack_format = #tpu.pack_format<interleaved>} : vector<32xbf16> -> vector<16xf32>
          %parallel_loop3A_233 = arith.addf %parallel_loop3A_227, %parallel_loop3A_231 : vector<16xf32>
          %parallel_loop3A_234 = arith.mulf %broadcast_in_dim3A_3, %parallel_loop3A_233 : vector<16xf32>
          %parallel_loop3A_235 = arith.addf %parallel_loop3A_223, %parallel_loop3A_234 : vector<16xf32>
          %parallel_loop3A_236 = arith.addf %parallel_loop3A_228, %parallel_loop3A_232 : vector<16xf32>
          %parallel_loop3A_237 = arith.mulf %broadcast_in_dim3A_3, %parallel_loop3A_236 : vector<16xf32>
          %parallel_loop3A_238 = arith.addf %parallel_loop3A_224, %parallel_loop3A_237 : vector<16xf32>
          tpu.vector_store_idx %arg13[%parallel_loop3A_220], %parallel_loop3A_235 : memref<2176xf32, #tpu.memory_space<vmem>>[vector<16xi32>], vector<16xf32>,
          %parallel_loop3A_239 = arith.addi %parallel_loop3A_220, %broadcast_in_dim3A_9 : vector<16xi32>
          tpu.vector_store_idx %arg13[%parallel_loop3A_239], %parallel_loop3A_238 : memref<2176xf32, #tpu.memory_space<vmem>>[vector<16xi32>], vector<16xf32>,
          %parallel_loop3A_240 = arith.addf %parallel_loop3A_235, %parallel_loop3A_238 : vector<16xf32>
          %parallel_loop3A_241 = arith.addf %parallel_loop3A_215, %parallel_loop3A_240 : vector<16xf32>
          %parallel_loop3A_242 = arith.mulf %parallel_loop3A_235, %parallel_loop3A_235 : vector<16xf32>
          %parallel_loop3A_243 = arith.mulf %parallel_loop3A_238, %parallel_loop3A_238 : vector<16xf32>
          %parallel_loop3A_244 = arith.addf %parallel_loop3A_242, %parallel_loop3A_243 : vector<16xf32>
          %parallel_loop3A_245 = arith.addf %parallel_loop3A_216, %parallel_loop3A_244 : vector<16xf32>
          %parallel_loop3A_246 = arith.addi %parallel_loop3A_217, %broadcast_in_dim3A_5 : vector<16xi32>
          %parallel_loop3A_247 = arith.addi %parallel_loop3A_218, %broadcast_in_dim3A_5 : vector<16xi32>
          %parallel_loop3A_248 = arith.addi %parallel_loop3A_219, %broadcast_in_dim3A_5 : vector<16xi32>
          %parallel_loop3A_249 = arith.addi %parallel_loop3A_220, %broadcast_in_dim3A_7 : vector<16xi32>
          scf.yield %parallel_loop3A_241, %parallel_loop3A_245, %parallel_loop3A_246, %parallel_loop3A_247, %parallel_loop3A_248, %parallel_loop3A_249 : vector<16xf32>, vector<16xf32>, vector<16xi32>, vector<16xi32>, vector<16xi32>, vector<16xi32>
        } {sc.loop_unroll_factor = 8 : i64, sc.parallel_access}
        %mul3A_170 = arith.constant 7.812500e-03 : f32
        %mul3A_171 = vector.broadcast %mul3A_170 : f32 to vector<16xf32>
        %mul3A_172 = arith.mulf %parallel_loop3A_169#0, %mul3A_171 : vector<16xf32>
        %mul3A_173 = arith.constant 7.812500e-03 : f32
        %mul3A_174 = vector.broadcast %mul3A_173 : f32 to vector<16xf32>
        %mul3A_175 = arith.mulf %parallel_loop3A_169#1, %mul3A_174 : vector<16xf32>
        %mul3A_176 = arith.mulf %mul3A_172, %mul3A_172 : vector<16xf32>
        %sub3A = arith.subf %mul3A_175, %mul3A_176 : vector<16xf32>
        %add3A_177 = arith.constant 9.99999996E-13 : f32
        %add3A_178 = vector.broadcast %add3A_177 : f32 to vector<16xf32>
        %add3A_179 = arith.addf %sub3A, %add3A_178 : vector<16xf32>
        %bitcast3A = vector.bitcast %add3A_179 : vector<16xf32> to vector<16xi32>
        %shift_right_arithmetic3A = arith.constant 1 : i32
        %shift_right_arithmetic3A_180 = vector.broadcast %shift_right_arithmetic3A : i32 to vector<16xi32>
        %shift_right_arithmetic3A_181 = arith.shrsi %bitcast3A, %shift_right_arithmetic3A_180 : vector<16xi32>
        %sub3A_182 = arith.subi %broadcast_in_dim3A_11, %shift_right_arithmetic3A_181 : vector<16xi32>
        %bitcast3A_183 = vector.bitcast %sub3A_182 : vector<16xi32> to vector<16xf32>
        %mul3A_184 = arith.constant 5.000000e-01 : f32
        %mul3A_185 = vector.broadcast %mul3A_184 : f32 to vector<16xf32>
        %mul3A_186 = arith.mulf %mul3A_185, %add3A_179 : vector<16xf32>
        %mul3A_187 = arith.mulf %mul3A_186, %bitcast3A_183 : vector<16xf32>
        %mul3A_188 = arith.mulf %mul3A_187, %bitcast3A_183 : vector<16xf32>
        %sub3A_189 = arith.constant 1.500000e+00 : f32
        %sub3A_190 = vector.broadcast %sub3A_189 : f32 to vector<16xf32>
        %sub3A_191 = arith.subf %sub3A_190, %mul3A_188 : vector<16xf32>
        %mul3A_192 = arith.mulf %bitcast3A_183, %sub3A_191 : vector<16xf32>
        %mul3A_193 = arith.constant 5.000000e-01 : f32
        %mul3A_194 = vector.broadcast %mul3A_193 : f32 to vector<16xf32>
        %mul3A_195 = arith.mulf %mul3A_194, %add3A_179 : vector<16xf32>
        %mul3A_196 = arith.mulf %mul3A_195, %mul3A_192 : vector<16xf32>
        %mul3A_197 = arith.mulf %mul3A_196, %mul3A_192 : vector<16xf32>
        %sub3A_198 = arith.constant 1.500000e+00 : f32
        %sub3A_199 = vector.broadcast %sub3A_198 : f32 to vector<16xf32>
        %sub3A_200 = arith.subf %sub3A_199, %mul3A_197 : vector<16xf32>
        %mul3A_201 = arith.mulf %mul3A_192, %sub3A_200 : vector<16xf32>
        %mul3A_202 = arith.constant 5.000000e-01 : f32
        %mul3A_203 = vector.broadcast %mul3A_202 : f32 to vector<16xf32>
        %mul3A_204 = arith.mulf %mul3A_203, %add3A_179 : vector<16xf32>
        %mul3A_205 = arith.mulf %mul3A_204, %mul3A_201 : vector<16xf32>
        %mul3A_206 = arith.mulf %mul3A_205, %mul3A_201 : vector<16xf32>
        %sub3A_207 = arith.constant 1.500000e+00 : f32
        %sub3A_208 = vector.broadcast %sub3A_207 : f32 to vector<16xf32>
        %sub3A_209 = arith.subf %sub3A_208, %mul3A_206 : vector<16xf32>
        %mul3A_210 = arith.mulf %mul3A_201, %sub3A_209 : vector<16xf32>
        %parallel_loop3A_211 = arith.constant 0 : i32
        %parallel_loop3A_212 = arith.constant 16 : i32
        %parallel_loop3A_213 = arith.constant 1 : i32
        scf.for %parallel_loop3A_214 = %parallel_loop3A_211 to %parallel_loop3A_212 step %parallel_loop3A_213  : i32 {
          %parallel_loop3A_215 = arith.constant 0 : i32
          %parallel_loop3A_216 = vector.broadcast %parallel_loop3A_215 : i32 to vector<16xi32>
          %parallel_loop3A_217 = vector.broadcast %parallel_loop3A_214 : i32 to vector<16xi32>
          %parallel_loop3A_218 = arith.addi %parallel_loop3A_216, %parallel_loop3A_217 : vector<16xi32>
          %parallel_loop3A_219 = vector.shape_cast %parallel_loop3A_218 : vector<16xi32> to vector<16x1xi32>
          %parallel_loop3A_220 = vector.shape_cast %parallel_loop3A_219 : vector<16x1xi32> to vector<16xi32>
          %parallel_loop3A_221 = tpu.dynamic_gather %mul3A_172[%parallel_loop3A_220] in [0] : vector<16xf32>, vector<16xi32> -> vector<16xf32>
          %parallel_loop3A_222 = vector.shape_cast %parallel_loop3A_218 : vector<16xi32> to vector<16x1xi32>
          %parallel_loop3A_223 = vector.shape_cast %parallel_loop3A_222 : vector<16x1xi32> to vector<16xi32>
          %parallel_loop3A_224 = tpu.dynamic_gather %mul3A_210[%parallel_loop3A_223] in [0] : vector<16xf32>, vector<16xi32> -> vector<16xf32>
          %parallel_loop3A_225 = arith.addi %mul3A_148, %parallel_loop3A_214 : i32
          %parallel_loop3A_226 = arith.constant 128 : i32
          %parallel_loop3A_227 = arith.muli %parallel_loop3A_225, %parallel_loop3A_226 : i32
          %parallel_loop3A_228 = arith.addi %mul3A_50, %parallel_loop3A_218 : vector<16xi32>
          %parallel_loop3A_229 = tpu.vector_load_idx %arg13[%parallel_loop3A_228] : memref<2176xf32, #tpu.memory_space<vmem>>[vector<16xi32>], vector<16xf32>,
          %parallel_loop3A_230 = arith.subf %parallel_loop3A_229, %parallel_loop3A_221 : vector<16xf32>
          %parallel_loop3A_231 = arith.mulf %parallel_loop3A_230, %parallel_loop3A_224 : vector<16xf32>
          %parallel_loop3A_232 = arith.mulf %parallel_loop3A_231, %get3A_14 : vector<16xf32>
          %parallel_loop3A_233 = arith.addf %parallel_loop3A_232, %get3A_30 : vector<16xf32>
          %parallel_loop3A_234 = arith.constant 0 : i32
          %parallel_loop3A_235 = arith.addi %parallel_loop3A_227, %parallel_loop3A_234 : i32
          %parallel_loop3A_236 = arith.index_cast %parallel_loop3A_235 : i32 to index
          %parallel_loop3A_237 = tpu.vector_load %arg15[%parallel_loop3A_236] {strides = array<i32>} : memref<40960xf32, #tpu.memory_space<vmem>>, vector<16xf32>,
          tpu.vector_store %arg15[%parallel_loop3A_236], %parallel_loop3A_233 {strides = array<i32>} : memref<40960xf32, #tpu.memory_space<vmem>>, vector<16xf32>,
          %parallel_loop3A_238 = arith.addi %mul3A_56, %parallel_loop3A_218 : vector<16xi32>
          %parallel_loop3A_239 = tpu.vector_load_idx %arg13[%parallel_loop3A_238] : memref<2176xf32, #tpu.memory_space<vmem>>[vector<16xi32>], vector<16xf32>,
          %parallel_loop3A_240 = arith.subf %parallel_loop3A_239, %parallel_loop3A_221 : vector<16xf32>
          %parallel_loop3A_241 = arith.mulf %parallel_loop3A_240, %parallel_loop3A_224 : vector<16xf32>
          %parallel_loop3A_242 = arith.mulf %parallel_loop3A_241, %get3A_16 : vector<16xf32>
          %parallel_loop3A_243 = arith.addf %parallel_loop3A_242, %get3A_32 : vector<16xf32>
          %parallel_loop3A_244 = arith.constant 16 : i32
          %parallel_loop3A_245 = arith.addi %parallel_loop3A_227, %parallel_loop3A_244 : i32
          %parallel_loop3A_246 = arith.index_cast %parallel_loop3A_245 : i32 to index
          %parallel_loop3A_247 = tpu.vector_load %arg15[%parallel_loop3A_246] {strides = array<i32>} : memref<40960xf32, #tpu.memory_space<vmem>>, vector<16xf32>,
          tpu.vector_store %arg15[%parallel_loop3A_246], %parallel_loop3A_243 {strides = array<i32>} : memref<40960xf32, #tpu.memory_space<vmem>>, vector<16xf32>,
          %parallel_loop3A_248 = arith.addi %mul3A_62, %parallel_loop3A_218 : vector<16xi32>
          %parallel_loop3A_249 = tpu.vector_load_idx %arg13[%parallel_loop3A_248] : memref<2176xf32, #tpu.memory_space<vmem>>[vector<16xi32>], vector<16xf32>,
          %parallel_loop3A_250 = arith.subf %parallel_loop3A_249, %parallel_loop3A_221 : vector<16xf32>
          %parallel_loop3A_251 = arith.mulf %parallel_loop3A_250, %parallel_loop3A_224 : vector<16xf32>
          %parallel_loop3A_252 = arith.mulf %parallel_loop3A_251, %get3A_18 : vector<16xf32>
          %parallel_loop3A_253 = arith.addf %parallel_loop3A_252, %get3A_34 : vector<16xf32>
          %parallel_loop3A_254 = arith.constant 32 : i32
          %parallel_loop3A_255 = arith.addi %parallel_loop3A_227, %parallel_loop3A_254 : i32
          %parallel_loop3A_256 = arith.index_cast %parallel_loop3A_255 : i32 to index
          %parallel_loop3A_257 = tpu.vector_load %arg15[%parallel_loop3A_256] {strides = array<i32>} : memref<40960xf32, #tpu.memory_space<vmem>>, vector<16xf32>,
          tpu.vector_store %arg15[%parallel_loop3A_256], %parallel_loop3A_253 {strides = array<i32>} : memref<40960xf32, #tpu.memory_space<vmem>>, vector<16xf32>,
          %parallel_loop3A_258 = arith.addi %mul3A_68, %parallel_loop3A_218 : vector<16xi32>
          %parallel_loop3A_259 = tpu.vector_load_idx %arg13[%parallel_loop3A_258] : memref<2176xf32, #tpu.memory_space<vmem>>[vector<16xi32>], vector<16xf32>,
          %parallel_loop3A_260 = arith.subf %parallel_loop3A_259, %parallel_loop3A_221 : vector<16xf32>
          %parallel_loop3A_261 = arith.mulf %parallel_loop3A_260, %parallel_loop3A_224 : vector<16xf32>
          %parallel_loop3A_262 = arith.mulf %parallel_loop3A_261, %get3A_20 : vector<16xf32>
          %parallel_loop3A_263 = arith.addf %parallel_loop3A_262, %get3A_36 : vector<16xf32>
          %parallel_loop3A_264 = arith.constant 48 : i32
          %parallel_loop3A_265 = arith.addi %parallel_loop3A_227, %parallel_loop3A_264 : i32
          %parallel_loop3A_266 = arith.index_cast %parallel_loop3A_265 : i32 to index
          %parallel_loop3A_267 = tpu.vector_load %arg15[%parallel_loop3A_266] {strides = array<i32>} : memref<40960xf32, #tpu.memory_space<vmem>>, vector<16xf32>,
          tpu.vector_store %arg15[%parallel_loop3A_266], %parallel_loop3A_263 {strides = array<i32>} : memref<40960xf32, #tpu.memory_space<vmem>>, vector<16xf32>,
          %parallel_loop3A_268 = arith.addi %mul3A_74, %parallel_loop3A_218 : vector<16xi32>
          %parallel_loop3A_269 = tpu.vector_load_idx %arg13[%parallel_loop3A_268] : memref<2176xf32, #tpu.memory_space<vmem>>[vector<16xi32>], vector<16xf32>,
          %parallel_loop3A_270 = arith.subf %parallel_loop3A_269, %parallel_loop3A_221 : vector<16xf32>
          %parallel_loop3A_271 = arith.mulf %parallel_loop3A_270, %parallel_loop3A_224 : vector<16xf32>
          %parallel_loop3A_272 = arith.mulf %parallel_loop3A_271, %get3A_22 : vector<16xf32>
          %parallel_loop3A_273 = arith.addf %parallel_loop3A_272, %get3A_38 : vector<16xf32>
          %parallel_loop3A_274 = arith.constant 64 : i32
          %parallel_loop3A_275 = arith.addi %parallel_loop3A_227, %parallel_loop3A_274 : i32
          %parallel_loop3A_276 = arith.index_cast %parallel_loop3A_275 : i32 to index
          %parallel_loop3A_277 = tpu.vector_load %arg15[%parallel_loop3A_276] {strides = array<i32>} : memref<40960xf32, #tpu.memory_space<vmem>>, vector<16xf32>,
          tpu.vector_store %arg15[%parallel_loop3A_276], %parallel_loop3A_273 {strides = array<i32>} : memref<40960xf32, #tpu.memory_space<vmem>>, vector<16xf32>,
          %parallel_loop3A_278 = arith.addi %mul3A_80, %parallel_loop3A_218 : vector<16xi32>
          %parallel_loop3A_279 = tpu.vector_load_idx %arg13[%parallel_loop3A_278] : memref<2176xf32, #tpu.memory_space<vmem>>[vector<16xi32>], vector<16xf32>,
          %parallel_loop3A_280 = arith.subf %parallel_loop3A_279, %parallel_loop3A_221 : vector<16xf32>
          %parallel_loop3A_281 = arith.mulf %parallel_loop3A_280, %parallel_loop3A_224 : vector<16xf32>
          %parallel_loop3A_282 = arith.mulf %parallel_loop3A_281, %get3A_24 : vector<16xf32>
          %parallel_loop3A_283 = arith.addf %parallel_loop3A_282, %get3A_40 : vector<16xf32>
          %parallel_loop3A_284 = arith.constant 80 : i32
          %parallel_loop3A_285 = arith.addi %parallel_loop3A_227, %parallel_loop3A_284 : i32
          %parallel_loop3A_286 = arith.index_cast %parallel_loop3A_285 : i32 to index
          %parallel_loop3A_287 = tpu.vector_load %arg15[%parallel_loop3A_286] {strides = array<i32>} : memref<40960xf32, #tpu.memory_space<vmem>>, vector<16xf32>,
          tpu.vector_store %arg15[%parallel_loop3A_286], %parallel_loop3A_283 {strides = array<i32>} : memref<40960xf32, #tpu.memory_space<vmem>>, vector<16xf32>,
          %parallel_loop3A_288 = arith.addi %mul3A_86, %parallel_loop3A_218 : vector<16xi32>
          %parallel_loop3A_289 = tpu.vector_load_idx %arg13[%parallel_loop3A_288] : memref<2176xf32, #tpu.memory_space<vmem>>[vector<16xi32>], vector<16xf32>,
          %parallel_loop3A_290 = arith.subf %parallel_loop3A_289, %parallel_loop3A_221 : vector<16xf32>
          %parallel_loop3A_291 = arith.mulf %parallel_loop3A_290, %parallel_loop3A_224 : vector<16xf32>
          %parallel_loop3A_292 = arith.mulf %parallel_loop3A_291, %get3A_26 : vector<16xf32>
          %parallel_loop3A_293 = arith.addf %parallel_loop3A_292, %get3A_42 : vector<16xf32>
          %parallel_loop3A_294 = arith.constant 96 : i32
          %parallel_loop3A_295 = arith.addi %parallel_loop3A_227, %parallel_loop3A_294 : i32
          %parallel_loop3A_296 = arith.index_cast %parallel_loop3A_295 : i32 to index
          %parallel_loop3A_297 = tpu.vector_load %arg15[%parallel_loop3A_296] {strides = array<i32>} : memref<40960xf32, #tpu.memory_space<vmem>>, vector<16xf32>,
          tpu.vector_store %arg15[%parallel_loop3A_296], %parallel_loop3A_293 {strides = array<i32>} : memref<40960xf32, #tpu.memory_space<vmem>>, vector<16xf32>,
          %parallel_loop3A_298 = arith.addi %mul3A_92, %parallel_loop3A_218 : vector<16xi32>
          %parallel_loop3A_299 = tpu.vector_load_idx %arg13[%parallel_loop3A_298] : memref<2176xf32, #tpu.memory_space<vmem>>[vector<16xi32>], vector<16xf32>,
          %parallel_loop3A_300 = arith.subf %parallel_loop3A_299, %parallel_loop3A_221 : vector<16xf32>
          %parallel_loop3A_301 = arith.mulf %parallel_loop3A_300, %parallel_loop3A_224 : vector<16xf32>
          %parallel_loop3A_302 = arith.mulf %parallel_loop3A_301, %get3A_28 : vector<16xf32>
          %parallel_loop3A_303 = arith.addf %parallel_loop3A_302, %get3A_44 : vector<16xf32>
          %parallel_loop3A_304 = arith.constant 112 : i32
          %parallel_loop3A_305 = arith.addi %parallel_loop3A_227, %parallel_loop3A_304 : i32
          %parallel_loop3A_306 = arith.index_cast %parallel_loop3A_305 : i32 to index
          %parallel_loop3A_307 = tpu.vector_load %arg15[%parallel_loop3A_306] {strides = array<i32>} : memref<40960xf32, #tpu.memory_space<vmem>>, vector<16xf32>,
          tpu.vector_store %arg15[%parallel_loop3A_306], %parallel_loop3A_303 {strides = array<i32>} : memref<40960xf32, #tpu.memory_space<vmem>>, vector<16xf32>,
        } {sc.loop_unroll_factor = 2 : i64, sc.parallel_access}
      }
      %scan3A_141 = arith.constant 20 : i32
      %mul3A_142 = arith.constant 128 : i32
      %mul3A_143 = arith.muli %add3A_130, %mul3A_142 : i32
      %dma_start3A_144 = tpu.memref_slice %arg7[%mul3A_143] : memref<26214400xf32, #tpu.memory_space<hbm>> -> memref<40960xf32, #tpu.memory_space<hbm>>
      %dma_start3A_145 = tpu.memref_slice %arg7[%mul3A_143] : memref<26214400xf32, #tpu.memory_space<hbm>> -> memref<40960xf32, #tpu.memory_space<hbm>>
      tpu.enqueue_dma source(%arg15 : memref<40960xf32, #tpu.memory_space<vmem>>) target(%dma_start3A_145 : memref<40960xf32, #tpu.memory_space<hbm>>) target_semaphore(%arg17 : memref<!tpu.dma_semaphore, #tpu.memory_space<semaphore_mem>>)
    }
    %scan3A_97 = arith.constant 10 : i32
    %dma_wait3A = arith.constant 0 : i32
    %dma_wait3A_98 = tpu.memref_slice %arg7[%dma_wait3A] : memref<26214400xf32, #tpu.memory_space<hbm>> -> memref<40960xf32, #tpu.memory_space<hbm>>
    %dma_wait3A_99 = arith.constant 0 : i32
    %dma_wait3A_100 = tpu.memref_slice %arg7[%dma_wait3A_99] : memref<26214400xf32, #tpu.memory_space<hbm>> -> memref<40960xf32, #tpu.memory_space<hbm>>
    tpu.wait_dma2 semaphore(%arg16 : memref<!tpu.dma_semaphore, #tpu.memory_space<semaphore_mem>>) src(%arg14 : memref<40960xf32, #tpu.memory_space<vmem>>) dst(%dma_wait3A_100 : memref<40960xf32, #tpu.memory_space<hbm>>)
    %dma_wait3A_101 = arith.constant 0 : i32
    %dma_wait3A_102 = tpu.memref_slice %arg7[%dma_wait3A_101] : memref<26214400xf32, #tpu.memory_space<hbm>> -> memref<40960xf32, #tpu.memory_space<hbm>>
    %dma_wait3A_103 = arith.constant 0 : i32
    %dma_wait3A_104 = tpu.memref_slice %arg7[%dma_wait3A_103] : memref<26214400xf32, #tpu.memory_space<hbm>> -> memref<40960xf32, #tpu.memory_space<hbm>>
    tpu.wait_dma2 semaphore(%arg17 : memref<!tpu.dma_semaphore, #tpu.memory_space<semaphore_mem>>) src(%arg15 : memref<40960xf32, #tpu.memory_space<vmem>>) dst(%dma_wait3A_104 : memref<40960xf32, #tpu.memory_space<hbm>>)
    return
  }
}

</mosaic_0001>

<sc_bundles>
// kernel: kernel.3.cloned.1.call-start
scs
__scs_entry_jumppad:
0x0: {  	(pc) =	sbr.rel $0x88, $3  }
0x1: {  	(tag) =	ssettag $0x0;
	lr =	simm.s32 $0x1  }
0x2: {  	[smem:$0x3F9D] =	sst lr;
	_ =	strace $0xD0000000  }
0x3: {  	_ = 	snop  }
0x4: {  	_ = 	snop  }
0x5: {  	_ = 	snop  }
0x6: {  	_ = 	snop  }
0x7: {  	_ = 	snop  }
__scs_overlays_trampoline_lowered:
0x8: {  	[smem:$0x3FAC] =	sst s0  }
0x9: {  	[smem:$0x3FAD] =	sst s1  }
0xa: {  	[smem:$0x3FAE] =	sst s2  }
0xb: {  	[smem:$0x3FAF] =	sst s3  }
0xc: {  	[smem:$0x3FB0] =	sst s4  }
0xd: {  	[smem:$0x3FB1] =	sst s5  }
0xe: {  	[smem:$0x3FB2] =	sst s6  }
0xf: {  	[smem:$0x3FB3] =	sst s7  }
0x10: {  	[smem:$0x3FB4] =	sst s8  }
0x11: {  	[smem:$0x3FB5] =	sst s9;
	s0 =	simm.s32 @!p0 $0x0  }
0x12: {  	s1 =	sld [smem:$0x3F9B];
	s0 =	simm.s32 @p0 $0x1  }
0x13: {  	[smem:$0x3FB6] =	sst s0;
	s0 =	simm.s32 @!p1 $0x0  }
0x14: {  	s2 =	sld [smem:$0x3F9A];
	s0 =	simm.s32 @p1 $0x1  }
0x15: {  	[smem:$0x3FB7] =	sst s0;
	s0 =	simm.s32 @!p2 $0x0  }
0x16: {  	s3 =	sld [smem:$0x3FDB];
	s0 =	simm.s32 @p2 $0x1  }
0x17: {  	s4 =	simm.s32 $0x1BF5;
	[smem:$0x3FB9] =	sst s0  }
0x18: {  	s0 =	sld [smem:$0x3F9C];
	_ =	swait.ge [sflag:s4], $0x0  }
0x19: {  	s7 =	sld [smem:$0x3F9D]  }
0x1a: {  	s8 =	sadd.s32 $0xFFFFE003, lr  }
0x1b: {  	s9 =	sadd.s32 $0xFFFFFEF7, lr;
	s5 =	simm.s32 $0xFFFFFFFF;
	p2 =	slt.u32 s8, $0xFFFFF086  }
0x1c: {  	p1 =	slt.u32 s9, $0xF7A;
	s5 =	simm.s32 @!p2 $0x0  }
0x1d: {  	s5 =	simm.s32 @p1 $0x1;
	p0 =	seq.s32 s7, s2  }
0x1e: {  	s7 =	smul.u32 @!p0 $0xF7A, s2;
	p2 =	seq.s32 @!p0 s5, $0x0  }
0x1f: {  	s9 =	smul.u32 $0xF7A, s1;
	s8 =	simm.s32 @!p0 $0x1BF5;
	p2 =	por !p2, p0  }
0x20: {  	[sflag:s8] =	ssyncset.s32 @!p0 $0xFFFFF086;
	s6 =	sadd.s32 @!p0 s3, s7;
	s7 =	simm.s32 @!p0 $0x108  }
0x21: {  	s3 =	sadd.s32 s3, s9;
	s6 =	sadd.s32 @!p0 $0x88, s6;
	s7 =	simm.s32 @p2 $0x1082  }
0x22: {  	[simem:s7], [sflag:s8] =	dma.local @!p0 [hbm:s6], $0xF7A  }
0x23: {  	s9 =	sor.u32 $0xD0000000, s2;
	s6 =	simm.s32 $0x108;
	_ =	swait.ge @!p0 [sflag:s8], $0x0  }
0x24: {  	s3 =	sadd.s32 $0x88, s3;
	s6 =	simm.s32 @!p1 $0x1082;
	[sflag:s4] =	ssyncset.s32 $0xFFFFF086  }
0x25: {  	[simem:s6], [sflag:s4] =	dma.local [hbm:s3], $0xF7A  }
0x26: {  	[smem:$0x3F9D] =	sst s1;
	(tag) =	ssettag s2;
	_ =	strace s9  }
0x27: {  	s1 =	sld [smem:$0x3FAD]  }
0x28: {  	s2 =	sld [smem:$0x3FAE]  }
0x29: {  	s4 =	sld [smem:$0x3FB0]  }
0x2a: {  	p0 =	seq.s32 s5, $0x0;
	s5 =	sld [smem:$0x3FB1]  }
0x2b: {  	s6 =	sld [smem:$0x3FB2]  }
0x2c: {  	s7 =	sld [smem:$0x3FB3]  }
0x2d: {  	s3 =	simm.s32 $0x108;
	s8 =	sld [smem:$0x3FB4]  }
0x2e: {  	s3 =	simm.s32 @!p0 $0x1082;
	s9 =	sld [smem:$0x3FB5]  }
0x2f: {  	lr =	sadd.s32 s0, s3;
	s0 =	sld [smem:$0x3FAC]  }
0x30: {  	s3 =	sld [smem:$0x3FAF]  }
0x31: {  	[smem:$0x3FB8] =	sst s10  }
0x32: {  	s10 =	sld [smem:$0x3FB6];
	_ =	sdelay $0x3  }
0x33: {  	p0 =	seq.s32 s10, $0x1;
	s10 =	sld [smem:$0x3FB8];
	_ =	sdelay $0x3  }
0x34: {  	[smem:$0x3FB8] =	sst s10  }
0x35: {  	s10 =	sld [smem:$0x3FB7];
	_ =	sdelay $0x3  }
0x36: {  	p1 =	seq.s32 s10, $0x1;
	s10 =	sld [smem:$0x3FB8];
	_ =	sdelay $0x3  }
0x37: {  	[smem:$0x3FB8] =	sst s10  }
0x38: {  	s10 =	sld [smem:$0x3FB9]  }
0x39: {  	_ = 	snop;
	(pc) =	sbr.ind lr, $3  }
0x3a: {  	_ = 	snop  }
0x3b: {  	_ = 	snop  }
0x3c: {  	p2 =	seq.s32 s10, $0x1;
	s10 =	sld [smem:$0x3FB8]  }
0x3d: {  	_ =	shalt  }
0x3e: {  	_ =	shalt  }
0x3f: {  	_ =	shalt  }
0x40: {  	_ =	shalt  }
0x41: {  	_ =	shalt  }
0x42: {  	_ =	shalt  }
0x43: {  	_ =	shalt  }
0x44: {  	_ =	shalt  }
0x45: {  	_ =	shalt  }
0x46: {  	_ =	shalt  }
0x47: {  	_ =	shalt  }
0x48: {  	_ =	shalt  }
0x49: {  	_ =	shalt  }
0x4a: {  	_ =	shalt  }
0x4b: {  	_ =	shalt  }
0x4c: {  	_ =	shalt  }
0x4d: {  	_ =	shalt  }
0x4e: {  	_ =	shalt  }
0x4f: {  	_ =	shalt  }
0x50: {  	_ =	shalt  }
0x51: {  	_ =	shalt  }
0x52: {  	_ =	shalt  }
0x53: {  	_ =	shalt  }
0x54: {  	_ =	shalt  }
0x55: {  	_ =	shalt  }
0x56: {  	_ =	shalt  }
0x57: {  	_ =	shalt  }
0x58: {  	_ =	shalt  }
0x59: {  	_ =	shalt  }
0x5a: {  	_ =	shalt  }
0x5b: {  	_ =	shalt  }
0x5c: {  	_ =	shalt  }
0x5d: {  	_ =	shalt  }
0x5e: {  	_ =	shalt  }
0x5f: {  	_ =	shalt  }
0x60: {  	_ =	shalt  }
0x61: {  	_ =	shalt  }
0x62: {  	_ =	shalt  }
0x63: {  	_ =	shalt  }
0x64: {  	_ =	shalt  }
0x65: {  	_ =	shalt  }
0x66: {  	_ =	shalt  }
0x67: {  	_ =	shalt  }
0x68: {  	_ =	shalt  }
0x69: {  	_ =	shalt  }
0x6a: {  	_ =	shalt  }
0x6b: {  	_ =	shalt  }
0x6c: {  	_ =	shalt  }
0x6d: {  	_ =	shalt  }
0x6e: {  	_ =	shalt  }
0x6f: {  	_ =	shalt  }
0x70: {  	_ =	shalt  }
0x71: {  	_ =	shalt  }
0x72: {  	_ =	shalt  }
0x73: {  	_ =	shalt  }
0x74: {  	_ =	shalt  }
0x75: {  	_ =	shalt  }
0x76: {  	_ =	shalt  }
0x77: {  	_ =	shalt  }
0x78: {  	_ =	shalt  }
0x79: {  	_ =	shalt  }
0x7a: {  	_ =	shalt  }
0x7b: {  	_ =	shalt  }
0x7c: {  	_ =	shalt  }
0x7d: {  	_ =	shalt  }
0x7e: {  	_ =	shalt  }
0x7f: {  	_ =	shalt  }
0x80: {  	_ =	shalt  }
0x81: {  	_ =	shalt  }
0x82: {  	_ =	shalt  }
0x83: {  	_ =	shalt  }
0x84: {  	_ =	shalt  }
0x85: {  	_ =	shalt  }
0x86: {  	_ =	shalt  }
0x87: {  	_ =	shalt  }
.Lfunc_end0:
.L_simem_size_0:
called_computation_lowered:
.L_overlay_start_0:
0x88: {  	s2 =	sld [smem:$0x3FD9]  }
0x89: {  	s3 =	sld [smem:$0x3FFE];
	_ =	sdelay $0x1  }
0x8a: {  	s1 =	srdreg.scid  }
0x8b: {  	s0 =	sand.u32 $0x1, s1  }
0x8c: {  	s17 =	sshll.u32 s0, $0xA;
	s2 =	sadd.s32 s3, s2  }
0x8d: {  	s2 =	sadd.s32 s2, s17  }
0x8e: {  	[smem:$0x3FC4] =	sst s2  }
0x8f: {  	_ = 	snop  }
0x90: {  	s2 =	sld [smem:$0x3FC7]  }
0x91: {  	s18 =	sld [smem:$0x3FC6]  }
0x92: {  	s4 =	sld [smem:$0x3FD0];
	(tm) =	ssettm $0x1  }
0x93: {  	s5 =	sld [smem:$0x3FFB];
	_ =	sdelay $0x3  }
0x94: {  	_ =	strace s5  }
0x95: {  	s5 =	sld [smem:$0x3FFC];
	_ =	sdelay $0x3  }
0x96: {  	_ =	strace s5  }
0x97: {  	s5 =	sld [smem:$0x3FFD];
	_ =	sdelay $0x3  }
0x98: {  	_ =	strace s5  }
0x99: {  	_ =	strace $0x8FFFFFFF  }
0x9a: {  	s19 =	sld [smem:$0x3FDB];
	_ =	sdelay $0x1  }
0x9b: {  	s6 =	simm.s32 $_scs_section_size  }
0x9c: {  	s7 =	simm.s32 $_size__tile_overlayer_lowered;
	s8 =	simm.s32 $_tile_overlayer_lowered  }
0x9d: {  	s22 =	simm.s32 $0x1BFF;
	s21 =	sshll.u32 s8, $0x1;
	s5 =	sadd.s32 s6, s19  }
0x9e: {  	s9 =	simm.s32 $0x0;
	s20 =	sshll.u32 s7, $0x1;
	s7 =	sadd.s32 s21, s5  }
0x9f: {  	[timem:s9], [sflag:s22] =	dma.local [hbm:s7], s20  }
0xa0: {  	_ =	swait.ge [sflag:s22], s20  }
0xa1: {  	s6 =	ssub.s32 $0x0, s20;
	[sflag:s22] =	ssyncset.done $0x0  }
0xa2: {  	[sflag:s22] =	ssyncadd.s32 s6;
	_ =	sdelay $0x1  }
0xa3: {  	s23 =	simm.s32 $0x1B8B  }
0xa4: {  	_ =	swait.ge [sflag:s23], $0x1  }
0xa5: {  	[sflag:s23] =	ssyncset.done $0x0  }
0xa6: {  	s25 =	simm.s32 $0x1B8E;
	s24 =	sld [smem:$0x3FFE];
	[sflag:s23] =	ssyncadd.s32 $0xFFFFFFFF  }
0xa7: {  	s26 =	simm.s32 $execute0_lowered;
	[smem:$0x3FD2] =	sst s25  }
0xa8: {  	s7 =	sshll.u32 s26, $0x1;
	_ =	strace $0x80000046;
	[dreg:$0x1] =	wrdreg $0xFFFFFFFF  }
0xa9: {  	s28 =	simm.s32 $_size_execute0_lowered;
	s5 =	sadd.s32 s5, s7;
	[dreg:$0x0] =	wrdreg $0x0  }
0xaa: {  	s7 =	sshll.u32 s28, $0x1;
	[dreg:$0x2] =	wrdreg s5  }
0xab: {  	[dreg:$0x3] =	wrdreg s7  }
0xac: {  	[dreg:$0x4] =	wrdreg $0xC0  }
0xad: {  	_ =	task [dreg:s9], $0x5FFFF  }
0xae: {  	[dreg:$0x1] =	wrdreg $0xFFFFFFFF  }
0xaf: {  	[dreg:$0x0] =	wrdreg $0x60  }
0xb0: {  	[dreg:$0x2] =	wrdreg s24  }
0xb1: {  	[dreg:$0x3] =	wrdreg s2  }
0xb2: {  	[dreg:$0x4] =	wrdreg s18  }
0xb3: {  	[dreg:$0x5] =	wrdreg s4  }
0xb4: {  	[dreg:$0x6] =	wrdreg $0x9  }
0xb5: {  	_ =	task.clear_ibuf [dreg:s9], $0x7FFFF;
	_ =	strace $0x90000046  }
0xb6: {  	s29 =	simm.s32 $0x9;
	_ =	strace $0x80000048  }
0xb7: {  	_ =	swait.ge [sflag:s29], $0x1  }
0xb8: {  	[sflag:s29] =	ssyncadd.s32 $0xFFFFFFFF  }
0xb9: {  	_ =	strace $0x90000048  }
0xba: {  	_ =	sfence  }
0xbb: {  	s30 =	sld [smem:$0x0];
	_ =	sdelay $0x2  }
0xbc: {  	s31 =	sshll.u32 s1, $0xD;
	s1 =	sshrl.u32 s1, $0x2  }
0xbd: {  	s3 =	sand.u32 $0x4000, s31;
	s1 =	sadd.s32 s1, s30  }
0xbe: {  	s0 =	sor.u32 s3, s0;
	s1 =	sshll.u32 s1, $0x11  }
0xbf: {  	s0 =	sor.u32 s1, s0  }
0xc0: {  	s0 =	sadd.s32 $0x8F2B, s0  }
0xc1: {  	[sflag:s0] =	ssyncadd.remote.s32 $0x1  }
0xc2: {  	_ =	sfence.sel $0xFFFF  }
0xc3: {  	[dreg:$0x0] =	wrdreg $0xFFFFFFFF;
	(pc) =	sbr.abs _section_cstart, $3  }
0xc4: {  	[dreg:$0x1] =	wrdreg $0xFFFFFFFF  }
0xc5: {  	_ =	task.clear_ibuf [dreg:s9], $0x2FFFF;
	_ =	strace $0x9FFFFFFF  }
0xc6: {  	(tm) =	ssettm $0x7FFFFFFF  }
0xc7: {  	_ =	shalt  }
tec
execute0_lowered:
.L_overlay_start_1:
0x0: {  	(tag) =	ssettag $0x1  }
0x1: {  	s0 =	rddreg [dreg:$0x0]  }
0x2: {  	s4 =	rddreg [dreg:$0x3]  }
0x3: {  	s1 =	srdreg.scid;
	s2 =	stileid.u32;
	s5 =	simm.s32 $0x0  }
0x4: {  	s12 =	simm.s32 $0x3;
	s15 =	simm.s32 $0x3400;
	s16 =	simm.s32 $0x3580  }
0x5: {  	s17 =	simm.s32 $0x3700;
	s1 =	sand.u32 $0x1, s1;
	s2 =	sshll.u32 s2, $0x1  }
0x6: {  	[smem:$0x7FF] =	sst s5;
	s2 =	sor.u32 s1, s2;
	s1 =	ssub.s32 $0x2, s1  }
0x7: {  	v0 =	vlaneseq.u32;
	s29 =	sadd.s32 $0x200, s0;
	s8 =	sadd.s32 $0x6E00, s0;
	s30 =	sshrl.u32 s1, $0x1  }
0x8: {  	s9 =	sadd.s32 $0xA00, s0;
	v14 =	vmul.u32 $0x11, v0;
	s6 =	smul.u32 $0x1900, s2;
	s31 =	ssub.s32 s1, s30  }
0x9: {  	_ =	strace $0x80000047;
	[dreg:$0x5] =	wrdreg s29;
	s0 =	smax.u32 s31, $0x1  }
0xa: {  	s2 =	simm.s32 $0x0;
	[tilespmem:$0x1FFF0] =	vst v14;
	s10 =	sadd.s32 $0x140, s6;
	[dreg:$0x6] =	wrdreg s0  }
.LBB2_1:
0xb: {  	[dreg:$0x7] =	wrdreg s2  }
0xc: {  	s0 =	rddreg [dreg:$0x5]  }
0xd: {  	[tilespmem:s5], [sflag:$0x3] =	stream.linear.gather [hbm4b:s0+s5], $0x3300, $0x38;
	[tilespmem:$0x17F80] =	vst v63  }
0xe: {  	_ =	swait.ge [sflag:s12], $0x3300  }
0xf: {  	[sflag:s12] =	ssyncset.done $0x0  }
0x10: {  	[sflag:s12] =	ssyncadd.s32 $0xFFFFCD00  }
0x11: {  	s1 =	simm.s32 $0x3300;
	s29 =	rddreg [dreg:$0x1]  }
0x12: {  	[tilespmem:s1], [sflag:$0x3] =	stream.linear.gather [hbm4b:s29+s5], $0x80, $0x38;
	[tilespmem:$0x17F80] =	vst v63  }
0x13: {  	_ =	swait.ge [sflag:s12], $0x80  }
0x14: {  	[sflag:s12] =	ssyncset.done $0x0  }
0x15: {  	[sflag:s12] =	ssyncadd.s32 $0xFFFFFF80  }
0x16: {  	s31 =	simm.s32 $0x3380;
	s30 =	rddreg [dreg:$0x2]  }
0x17: {  	[tilespmem:s31], [sflag:$0x3] =	stream.linear.gather [hbm4b:s30+s5], $0x80, $0x38;
	[tilespmem:$0x17F80] =	vst v63  }
0x18: {  	_ =	swait.ge [sflag:s12], $0x80  }
0x19: {  	[sflag:s12] =	ssyncset.done $0x0  }
0x1a: {  	[sflag:s12] =	ssyncadd.s32 $0xFFFFFF80  }
0x1b: {  	v1 =	vld [tilespmem:$0x3300]  }
0x1c: {  	v11 =	vld [tilespmem:$0x3310]  }
0x1d: {  	v15 =	vld [tilespmem:$0x3320]  }
0x1e: {  	v58 =	vld [tilespmem:$0x3330]  }
0x1f: {  	v19 =	vld [tilespmem:$0x3340]  }
0x20: {  	v62 =	vld [tilespmem:$0x3350];
	[tilespmem:$0x1FF00] =	vst v1  }
0x21: {  	v63 =	vld [tilespmem:$0x3360];
	[tilespmem:$0x1FF10] =	vst v11  }
0x22: {  	v0 =	vld [tilespmem:$0x3370];
	[tilespmem:$0x1FF20] =	vst v15  }
0x23: {  	v16 =	vld [tilespmem:$0x3390];
	[tilespmem:$0x1FF30] =	vst v58  }
0x24: {  	v17 =	vld [tilespmem:$0x33A0];
	[tilespmem:$0x1FF40] =	vst v19  }
0x25: {  	v18 =	vld [tilespmem:$0x33B0];
	[tilespmem:$0x1FF50] =	vst v62  }
0x26: {  	v12 =	vld [tilespmem:$0x33C0];
	[tilespmem:$0x1FF60] =	vst v63  }
0x27: {  	v20 =	vld [tilespmem:$0x33D0];
	[tilespmem:$0x1FF70] =	vst v0  }
0x28: {  	v21 =	vld [tilespmem:$0x33E0];
	[tilespmem:$0x1FF80] =	vst v16  }
0x29: {  	v59 =	vld [tilespmem:$0x33F0];
	[tilespmem:$0x1FF90] =	vst v17  }
0x2a: {  	[tilespmem:$0x1FFA0] =	vst v18  }
0x2b: {  	[tilespmem:$0x1FFB0] =	vst v12  }
0x2c: {  	[tilespmem:$0x1FFC0] =	vst v20  }
0x2d: {  	[tilespmem:$0x1FFD0] =	vst v21  }
0x2e: {  	s23 =	simm.s32 $0x0;
	v13 =	vld [tilespmem:$0x3380];
	[tilespmem:$0x1FFE0] =	vst v59  }
.LBB2_2:
0x2f: {  	s24 =	smul.u32 $0x280, s23;
	_ =	sdelay $0x1  }
0x30: {  	s25 =	sadd.s32 s6, s24  }
0x31: {  	s0 =	sshrl.u32 s25, $0x3  }
0x32: {  	s1 =	sadd.s32 s8, s0  }
0x33: {  	[tilespmem:s15], [sflag:$0x3] =	stream.linear.gather [hbm4b:s1+s5], $0x140, $0x38;
	[tilespmem:$0x17F80] =	vst v63  }
0x34: {  	_ =	swait.ge [sflag:s12], $0x140  }
0x35: {  	[sflag:s12] =	ssyncset.done $0x0  }
0x36: {  	s0 =	sadd.s32 s9, s0;
	[sflag:s12] =	ssyncadd.s32 $0xFFFFFEC0  }
0x37: {  	[tilespmem:s16], [sflag:$0x3] =	stream.linear.gather [hbm4b:s0+s5], $0x140, $0x38;
	[tilespmem:$0x17F80] =	vst v63  }
0x38: {  	_ =	swait.ge [sflag:s12], $0x140  }
0x39: {  	p0 =	seq.s32 s23, $0x0;
	[sflag:s12] =	ssyncset.done $0x0  }
0x3a: {  	s0 =	simm.s32 @!p0 $0x1;
	[sflag:s12] =	ssyncadd.s32 $0xFFFFFEC0  }
0x3b: {  	_ =	swait.ge @!p0 [sflag:s0], $0xA000  }
0x3c: {  	[sflag:s0] =	ssyncset.done @!p0 $0x0  }
0x3d: {  	s26 =	simm.s32 $0x0;
	s28 =	simm.s32 $0x4000;
	[sflag:s0] =	ssyncadd.s32 @!p0 $0xFFFF6000  }
.LBB2_3:
0x3e: {  	s0 =	sshll.u32 s26, $0x4  }
0x3f: {  	v20 =	vld [tilespmem:s0+$0x3400]  }
0x40: {  	v21 =	vld [tilespmem:s0+$0x3580];
	_ =	sdelay $0x3  }
0x41: {  	v20 =	vmul.u32 $0x41, v20  }
0x42: {  	v21 =	vmul.u32 $0x41, v21  }
0x43: {  	v18 =	vlaneseq.u32  }
0x44: {  	v1 =	vimm.f32 $0.0e+00;
	s1 =	sadd.s32 s25, s0;
	v5 =	vadd.s32 $0x22, v18;
	v26 =	vadd.s32 $0x7, v20  }
0x45: {  	v4 =	vadd.s32 $0x33, v18;
	v17 =	vor.u32 s1, v18;
	v34 =	vadd.s32 $0x7, v21  }
0x46: {  	v6 =	vadd.s32 $0x44, v18;
	v19 =	vmulhi.u32 $0x51EB851F, v17;
	v37 =	vadd.s32 $0x6, v20  }
0x47: {  	v3 =	vadd.s32 $0x55, v18;
	v7 =	vadd.s32 $0x66, v18;
	v38 =	vadd.s32 $0x6, v21;
	v31 =	vld.idx.msk [tilespmem:v20+s5+$0x0], $0xffff  }
0x48: {  	v2 =	vadd.s32 $0x77, v18;
	v19 =	vshrl.u32 v19, $0x6;
	v42 =	vadd.s32 $0x5, v20;
	v32 =	vld.idx.msk [tilespmem:v21+s5+$0x0], $0xffff  }
0x49: {  	v8 =	vadd.s32 $0x88, v18;
	v19 =	vmul.u32 $0xC8, v19;
	v44 =	vadd.s32 $0x5, v21;
	v41 =	vld.idx.msk [tilespmem:v26+s5+$0x0], $0xffff  }
0x4a: {  	v0 =	vadd.s32 $0x99, v18;
	v9 =	vadd.s32 $0xAA, v18;
	v48 =	vadd.s32 $0x4, v20;
	v34 =	vld.idx.msk [tilespmem:v34+s5+$0x0], $0xffff  }
0x4b: {  	v10 =	vadd.s32 $0xCC, v18;
	v17 =	vsub.s32 v17, v19;
	v52 =	vadd.s32 $0x3, v20;
	v37 =	vld.idx.msk [tilespmem:v37+s5+$0x0], $0xffff  }
0x4c: {  	v11 =	vadd.s32 $0xEE, v18;
	v53 =	vadd.s32 $0x3, v21;
	v19 =	vmul.u32 $0x41, v17;
	v38 =	vld.idx.msk [tilespmem:v38+s5+$0x0], $0xffff  }
0x4d: {  	v49 =	vadd.s32 $0x4, v21;
	v54 =	vadd.s32 $0x1, v20;
	v55 =	vadd.s32 $0x2, v20;
	v42 =	vld.idx.msk [tilespmem:v42+s5+$0x0], $0xffff  }
0x4e: {  	v56 =	vadd.s32 $0x2, v21;
	v58 =	vadd.s32 $0x1, v21;
	v17 =	vadd.s32 $0x7, v19;
	v44 =	vld.idx.msk [tilespmem:v44+s5+$0x0], $0xffff  }
0x4f: {  	v22 =	vadd.s32 $0x6, v19;
	v23 =	vadd.s32 $0x5, v19;
	v35 =	vadd.s32 $0x4, v19;
	v48 =	vld.idx.msk [tilespmem:v48+s5+$0x0], $0xffff  }
0x50: {  	v40 =	vadd.s32 $0x3, v19;
	v45 =	vadd.s32 $0x2, v19;
	v51 =	vadd.s32 $0x1, v19;
	v52 =	vld.idx.msk [tilespmem:v52+s5+$0x0], $0xffff  }
0x51: {  	v53 =	vld.idx.msk [tilespmem:v53+s5+$0x0], $0xffff;
	v59 =	vunpack.i.u.bf16.f32 v31;
	v33 =	vunpack.i.l.bf16.f32 v31;
	v60 =	vunpack.i.u.bf16.f32 v32  }
0x52: {  	v55 =	vld.idx.msk [tilespmem:v55+s5+$0x0], $0xffff;
	v32 =	vunpack.i.l.bf16.f32 v32;
	v31 =	vunpack.i.u.bf16.f32 v34;
	v34 =	vunpack.i.l.bf16.f32 v34  }
0x53: {  	v56 =	vld.idx.msk [tilespmem:v56+s5+$0x0], $0xffff;
	v30 =	vunpack.i.u.bf16.f32 v37;
	v37 =	vunpack.i.l.bf16.f32 v37;
	v29 =	vunpack.i.u.bf16.f32 v38  }
0x54: {  	v54 =	vld.idx.msk [tilespmem:v54+s5+$0x0], $0xffff;
	v38 =	vunpack.i.l.bf16.f32 v38;
	v28 =	vunpack.i.u.bf16.f32 v42;
	v42 =	vunpack.i.l.bf16.f32 v42  }
0x55: {  	v58 =	vld.idx.msk [tilespmem:v58+s5+$0x0], $0xffff;
	v27 =	vunpack.i.u.bf16.f32 v44;
	v44 =	vunpack.i.l.bf16.f32 v44;
	v26 =	vunpack.i.u.bf16.f32 v48  }
0x56: {  	v24 =	vld.idx.msk [tilespmem:v19+s5+$0x0], $0xffff;
	v48 =	vunpack.i.l.bf16.f32 v48;
	v25 =	vunpack.i.u.bf16.f32 v52;
	v52 =	vunpack.i.l.bf16.f32 v52  }
0x57: {  	v39 =	vld.idx.msk [tilespmem:v23+s5+$0x0], $0xffff;
	v23 =	vunpack.i.u.bf16.f32 v53;
	v32 =	vadd.f32 v32, v33;
	v33 =	vadd.f32 v60, v59  }
0x58: {  	v36 =	vld.idx.msk [tilespmem:v17+s5+$0x0], $0xffff;
	v53 =	vunpack.i.l.bf16.f32 v53;
	v59 =	vunpack.i.u.bf16.f32 v55;
	v55 =	vunpack.i.l.bf16.f32 v55  }
0x59: {  	v22 =	vld.idx.msk [tilespmem:v22+s5+$0x0], $0xffff;
	v14 =	vunpack.i.u.bf16.f32 v56;
	v56 =	vunpack.i.l.bf16.f32 v56;
	v37 =	vadd.f32 v38, v37  }
0x5a: {  	v35 =	vld.idx.msk [tilespmem:v35+s5+$0x0], $0xffff;
	v29 =	vadd.f32 v29, v30;
	v30 =	vunpack.i.l.bf16.f32 v54;
	v27 =	vadd.f32 v27, v28  }
0x5b: {  	v40 =	vld.idx.msk [tilespmem:v40+s5+$0x0], $0xffff;
	v28 =	vunpack.i.u.bf16.f32 v58;
	v53 =	vadd.f32 v53, v52;
	v23 =	vadd.f32 v23, v25  }
0x5c: {  	v16 =	vmovc v13;
	v45 =	vld.idx.msk [tilespmem:v45+s5+$0x0], $0xffff;
	v14 =	vadd.f32 v14, v59;
	v13 =	vunpack.i.u.bf16.f32 v24;
	v57 =	vunpack.i.l.bf16.f32 v24  }
0x5d: {  	v51 =	vld.idx.msk [tilespmem:v51+s5+$0x0], $0xffff;
	v25 =	vmul.f32 $5.000000000e-01, v32;
	v61 =	vunpack.i.u.bf16.f32 v36;
	v46 =	vunpack.i.l.bf16.f32 v36  }
0x5e: {  	v12 =	vunpack.i.u.bf16.f32 v39;
	v63 =	vunpack.i.u.bf16.f32 v22;
	v43 =	vunpack.i.l.bf16.f32 v22  }
0x5f: {  	v22 =	vld.idx.msk [tilespmem:v49+s5+$0x0], $0xffff;
	v47 =	vunpack.i.l.bf16.f32 v39;
	v49 =	vunpack.i.u.bf16.f32 v41;
	v41 =	vunpack.i.l.bf16.f32 v41  }
0x60: {  	v62 =	vunpack.i.u.bf16.f32 v35;
	v36 =	vunpack.i.l.bf16.f32 v35;
	v50 =	vunpack.i.u.bf16.f32 v40  }
0x61: {  	v40 =	vunpack.i.l.bf16.f32 v40;
	v39 =	vunpack.i.u.bf16.f32 v45;
	v45 =	vunpack.i.l.bf16.f32 v45  }
0x62: {  	v35 =	vunpack.i.l.bf16.f32 v51;
	v29 =	vmul.f32 $5.000000000e-01, v29;
	v27 =	vmul.f32 $5.000000000e-01, v27  }
0x63: {  	v23 =	vmul.f32 $5.000000000e-01, v23;
	v34 =	vadd.f32 v34, v41;
	v31 =	vadd.f32 v31, v49  }
0x64: {  	v41 =	vunpack.i.u.bf16.f32 v54;
	v49 =	vadd.f32 v44, v42;
	v54 =	vmul.f32 $5.000000000e-01, v33  }
0x65: {  	v25 =	vadd.f32 v25, v57;
	v28 =	vadd.f32 v28, v41;
	v34 =	vmul.f32 $5.000000000e-01, v34  }
0x66: {  	v42 =	vmul.f32 $5.000000000e-01, v53;
	v23 =	vadd.f32 v23, v50;
	v31 =	vmul.f32 $5.000000000e-01, v31  }
0x67: {  	v28 =	vmul.f32 $5.000000000e-01, v28;
	v24 =	vunpack.i.u.bf16.f32 v22;
	v32 =	vadd.f32 v34, v46  }
0x68: {  	v22 =	vunpack.i.l.bf16.f32 v22;
	v34 =	vadd.f32 v27, v12;
	v27 =	vadd.f32 v42, v40  }
0x69: {  	v22 =	vadd.f32 v22, v48;
	v24 =	vadd.f32 v24, v26;
	v26 =	vunpack.i.l.bf16.f32 v58  }
0x6a: {  	v58 =	vadd.f32 v56, v55;
	v48 =	vmul.f32 $5.000000000e-01, v49;
	v26 =	vadd.f32 v26, v30  }
0x6b: {  	v30 =	vmul.f32 $5.000000000e-01, v37;
	[tilespmem:v7+s17+$0x0] =	vst.idx.msk $0xffff, v27;
	v42 =	vadd.f32 v27, v23;
	v27 =	vmul.f32 v27, v27  }
0x6c: {  	v49 =	vmul.f32 $5.000000000e-01, v22;
	v52 =	vmul.f32 $5.000000000e-01, v24;
	v22 =	vadd.f32 v54, v13  }
0x6d: {  	[tilespmem:v18+s17+$0x0] =	vst.idx.msk $0xffff, v25;
	v24 =	vadd.f32 v31, v61;
	v31 =	vadd.f32 v29, v63;
	v29 =	vmul.f32 $5.000000000e-01, v14  }
0x6e: {  	v53 =	vadd.f32 v48, v47;
	v61 =	vmul.f32 v23, v23;
	v63 =	vmul.f32 v34, v34  }
0x6f: {  	[tilespmem:v11+s17+$0x0] =	vst.idx.msk $0xffff, v32;
	v43 =	vadd.f32 v30, v43;
	v30 =	vmul.f32 $5.000000000e-01, v58;
	v38 =	vadd.f32 v49, v36  }
0x70: {  	[tilespmem:v2+s17+$0x0] =	vst.idx.msk $0xffff, v23;
	v26 =	vmul.f32 $5.000000000e-01, v26;
	v54 =	vadd.f32 v52, v62;
	v39 =	vadd.f32 v29, v39  }
0x71: {  	v29 =	vadd.f32 v25, v22;
	v25 =	vmul.f32 v25, v25;
	v36 =	vadd.f32 v53, v34  }
0x72: {  	[tilespmem:v9+s17+$0x0] =	vst.idx.msk $0xffff, v53;
	v27 =	vadd.f32 v27, v61;
	v55 =	vadd.f32 v30, v45;
	v30 =	vunpack.i.u.bf16.f32 v51  }
0x73: {  	v26 =	vadd.f32 v26, v35;
	v28 =	vadd.f32 v28, v30;
	v30 =	vmul.f32 v22, v22  }
0x74: {  	v35 =	vadd.f32 v43, v31;
	v59 =	vmul.f32 v39, v39;
	v60 =	vadd.f32 v29, v1  }
0x75: {  	v56 =	vmul.f32 v26, v26;
	v57 =	vmul.f32 v28, v28;
	v25 =	vadd.f32 v25, v30  }
0x76: {  	v20 =	vadd.s32 $0x8, v20;
	[tilespmem:v5+s17+$0x0] =	vst.idx.msk $0xffff, v26;
	v41 =	vmul.f32 v55, v55;
	v26 =	vadd.f32 v26, v28  }
0x77: {  	v23 =	vmul.f32 v53, v53;
	v44 =	vadd.f32 v56, v57;
	v25 =	vadd.f32 v25, v1  }
0x78: {  	v21 =	vadd.s32 $0x8, v21;
	v58 =	vadd.f32 v55, v39;
	[tilespmem:v4+s17+$0x0] =	vst.idx.msk $0xffff, v28;
	v28 =	vadd.f32 v41, v59  }
0x79: {  	v33 =	vadd.s32 $0xBB, v18;
	[tilespmem:v8+s17+$0x0] =	vst.idx.msk $0xffff, v38;
	v26 =	vadd.f32 v26, v60;
	v25 =	vadd.f32 v44, v25  }
0x7a: {  	v37 =	vadd.f32 v38, v54;
	v38 =	vmul.f32 v38, v38;
	v62 =	vmul.f32 v54, v54  }
0x7b: {  	v19 =	vadd.s32 $0x8, v19;
	[tilespmem:v10+s17+$0x0] =	vst.idx.msk $0xffff, v43;
	v26 =	vadd.f32 v58, v26;
	v28 =	vadd.f32 v28, v25  }
0x7c: {  	v23 =	vadd.f32 v23, v63;
	[tilespmem:v6+s17+$0x0] =	vst.idx.msk $0xffff, v55;
	v30 =	vadd.s32 $0xDD, v18;
	v25 =	vadd.f32 v38, v62  }
0x7d: {  	v17 =	vadd.s32 $0x11, v18;
	[tilespmem:v0+s17+$0x0] =	vst.idx.msk $0xffff, v54;
	v26 =	vadd.f32 v42, v26;
	v27 =	vadd.f32 v27, v28  }
0x7e: {  	s0 =	simm.s32 $0x0;
	v29 =	vadd.s32 $0xFF, v18;
	[tilespmem:v3+s17+$0x0] =	vst.idx.msk $0xffff, v39;
	v38 =	vmul.f32 v31, v31;
	v28 =	vmul.f32 v43, v43  }
.LBB2_4:
0x7f: {  	v39 =	vadd.s32 $0x7, v19;
	v26 =	vadd.f32 v37, v26;
	v25 =	vadd.f32 v25, v27;
	[tilespmem:v33+s17+$0x0] =	vst.idx.msk $0xffff, v34  }
0x80: {  	v33 =	vmul.f32 v24, v24;
	v27 =	vadd.f32 v28, v38;
	v28 =	vmul.f32 v32, v32  }
0x81: {  	v34 =	vadd.s32 $0x6, v19;
	v26 =	vadd.f32 v36, v26;
	v23 =	vadd.f32 v23, v25;
	[tilespmem:v30+s17+$0x0] =	vst.idx.msk $0xffff, v31  }
0x82: {  	v25 =	vadd.s32 $0x5, v19;
	v30 =	vadd.f32 v32, v24;
	v31 =	vld.idx.msk [tilespmem:v19+s5+$0x0], $0xffff;
	v28 =	vadd.f32 v28, v33  }
0x83: {  	v36 =	vadd.s32 $0x7, v20;
	v32 =	vld.idx.msk [tilespmem:v20+s5+$0x0], $0xffff;
	v26 =	vadd.f32 v35, v26;
	v23 =	vadd.f32 v27, v23  }
0x84: {  	v37 =	vadd.s32 $0x7, v21;
	v18 =	vadd.s32 $0x110, v18;
	v40 =	vld.idx.msk [tilespmem:v21+s5+$0x0], $0xffff;
	[tilespmem:v29+s17+$0x0] =	vst.idx.msk $0xffff, v24  }
0x85: {  	v24 =	vadd.s32 $0x4, v19;
	v39 =	vld.idx.msk [tilespmem:v39+s5+$0x0], $0xffff;
	v26 =	vadd.f32 v30, v26;
	v27 =	vadd.f32 v28, v23  }
0x86: {  	v41 =	vadd.s32 $0x6, v20;
	v42 =	vld.idx.msk [tilespmem:v34+s5+$0x0], $0xffff;
	[tilespmem:v17+s17+$0x0] =	vst.idx.msk $0xffff, v22;
	v17 =	vadd.s32 $0x11, v18  }
0x87: {  	v29 =	vadd.s32 $0x33, v18;
	v30 =	vadd.s32 $0x22, v18;
	v34 =	vadd.s32 $0x6, v21;
	v22 =	vld.idx.msk [tilespmem:v25+s5+$0x0], $0xffff  }
0x88: {  	v43 =	vadd.s32 $0x3, v19;
	v33 =	vadd.s32 $0x44, v18;
	v28 =	vadd.s32 $0x55, v18;
	v44 =	vld.idx.msk [tilespmem:v36+s5+$0x0], $0xffff  }
0x89: {  	v45 =	vadd.s32 $0x5, v20;
	v35 =	vadd.s32 $0x66, v18;
	v25 =	vadd.s32 $0x77, v18;
	v46 =	vld.idx.msk [tilespmem:v37+s5+$0x0], $0xffff  }
0x8a: {  	v47 =	vadd.s32 $0x5, v21;
	v23 =	vadd.s32 $0x99, v18;
	v36 =	vadd.s32 $0x88, v18;
	v24 =	vld.idx.msk [tilespmem:v24+s5+$0x0], $0xffff  }
0x8b: {  	v48 =	vadd.s32 $0x2, v19;
	v38 =	vadd.s32 $0xCC, v18;
	v37 =	vadd.s32 $0xAA, v18;
	v41 =	vld.idx.msk [tilespmem:v41+s5+$0x0], $0xffff  }
0x8c: {  	v49 =	vadd.s32 $0x4, v20;
	v50 =	vadd.s32 $0x4, v21;
	v51 =	vld.idx.msk [tilespmem:v34+s5+$0x0], $0xffff;
	v34 =	vadd.s32 $0xEE, v18  }
0x8d: {  	v52 =	vadd.s32 $0x1, v19;
	v53 =	vadd.s32 $0x3, v20;
	v54 =	vadd.s32 $0x3, v21;
	v43 =	vld.idx.msk [tilespmem:v43+s5+$0x0], $0xffff  }
0x8e: {  	v55 =	vadd.s32 $0x1, v20;
	v56 =	vadd.s32 $0x2, v20;
	v57 =	vadd.s32 $0x2, v21;
	v45 =	vld.idx.msk [tilespmem:v45+s5+$0x0], $0xffff  }
0x8f: {  	v59 =	vadd.s32 $0x1, v21;
	v58 =	vunpack.i.u.bf16.f32 v31;
	v31 =	vunpack.i.l.bf16.f32 v31;
	v47 =	vld.idx.msk [tilespmem:v47+s5+$0x0], $0xffff  }
0x90: {  	v60 =	vunpack.i.u.bf16.f32 v32;
	v32 =	vunpack.i.l.bf16.f32 v32;
	v61 =	vunpack.i.u.bf16.f32 v40;
	v48 =	vld.idx.msk [tilespmem:v48+s5+$0x0], $0xffff  }
0x91: {  	v40 =	vunpack.i.l.bf16.f32 v40;
	v62 =	vunpack.i.u.bf16.f32 v39;
	v39 =	vunpack.i.l.bf16.f32 v39;
	v49 =	vld.idx.msk [tilespmem:v49+s5+$0x0], $0xffff  }
0x92: {  	v0 =	vunpack.i.u.bf16.f32 v42;
	v42 =	vunpack.i.l.bf16.f32 v42;
	v63 =	vunpack.i.u.bf16.f32 v22;
	v50 =	vld.idx.msk [tilespmem:v50+s5+$0x0], $0xffff  }
0x93: {  	v1 =	vunpack.i.l.bf16.f32 v22;
	v22 =	vunpack.i.u.bf16.f32 v44;
	v44 =	vunpack.i.l.bf16.f32 v44;
	v52 =	vld.idx.msk [tilespmem:v52+s5+$0x0], $0xffff  }
0x94: {  	v3 =	vunpack.i.u.bf16.f32 v46;
	v46 =	vunpack.i.l.bf16.f32 v46;
	v2 =	vunpack.i.u.bf16.f32 v24;
	v53 =	vld.idx.msk [tilespmem:v53+s5+$0x0], $0xffff  }
0x95: {  	v4 =	vunpack.i.l.bf16.f32 v24;
	v24 =	vunpack.i.u.bf16.f32 v41;
	v41 =	vunpack.i.l.bf16.f32 v41;
	v54 =	vld.idx.msk [tilespmem:v54+s5+$0x0], $0xffff  }
0x96: {  	v6 =	vunpack.i.u.bf16.f32 v51;
	v51 =	vunpack.i.l.bf16.f32 v51;
	v5 =	vunpack.i.u.bf16.f32 v43;
	v56 =	vld.idx.msk [tilespmem:v56+s5+$0x0], $0xffff  }
0x97: {  	v43 =	vunpack.i.l.bf16.f32 v43;
	v7 =	vunpack.i.u.bf16.f32 v45;
	v45 =	vunpack.i.l.bf16.f32 v45;
	v57 =	vld.idx.msk [tilespmem:v57+s5+$0x0], $0xffff  }
0x98: {  	v9 =	vunpack.i.u.bf16.f32 v47;
	v47 =	vunpack.i.l.bf16.f32 v47;
	v8 =	vunpack.i.u.bf16.f32 v48  }
0x99: {  	v48 =	vunpack.i.l.bf16.f32 v48;
	v10 =	vunpack.i.u.bf16.f32 v49;
	v49 =	vunpack.i.l.bf16.f32 v49;
	v55 =	vld.idx.msk [tilespmem:v55+s5+$0x0], $0xffff  }
0x9a: {  	v12 =	vunpack.i.u.bf16.f32 v50;
	v50 =	vunpack.i.l.bf16.f32 v50;
	v11 =	vunpack.i.l.bf16.f32 v52  }
0x9b: {  	v13 =	vunpack.i.u.bf16.f32 v53;
	v53 =	vunpack.i.l.bf16.f32 v53;
	v14 =	vunpack.i.u.bf16.f32 v54;
	v59 =	vld.idx.msk [tilespmem:v59+s5+$0x0], $0xffff  }
0x9c: {  	v32 =	vadd.f32 v40, v32;
	v40 =	vadd.f32 v61, v60;
	v54 =	vunpack.i.l.bf16.f32 v54  }
0x9d: {  	v60 =	vunpack.i.u.bf16.f32 v56;
	v56 =	vunpack.i.l.bf16.f32 v56;
	v61 =	vunpack.i.u.bf16.f32 v57  }
0x9e: {  	v44 =	vadd.f32 v46, v44;
	v3 =	vadd.f32 v3, v22;
	v57 =	vunpack.i.l.bf16.f32 v57  }
0x9f: {  	v41 =	vadd.f32 v51, v41;
	v6 =	vadd.f32 v6, v24;
	v22 =	vunpack.i.u.bf16.f32 v55  }
0xa0: {  	v45 =	vadd.f32 v47, v45;
	v7 =	vadd.f32 v9, v7;
	v24 =	vunpack.i.l.bf16.f32 v55  }
0xa1: {  	s0 =	sadd.s32 $0x8, s0;
	v46 =	vadd.f32 v50, v49;
	v10 =	vadd.f32 v12, v10;
	v9 =	vunpack.i.u.bf16.f32 v59  }
0xa2: {  	p1 =	slt.u32 s0, $0x38;
	v47 =	vadd.f32 v54, v53;
	v13 =	vadd.f32 v14, v13;
	v12 =	vunpack.i.l.bf16.f32 v59  }
0xa3: {  	v14 =	vmul.f32 $5.000000000e-01, v32;
	v32 =	vmul.f32 $5.000000000e-01, v40;
	v40 =	vadd.f32 v57, v56  }
0xa4: {  	v44 =	vmul.f32 $5.000000000e-01, v44;
	v3 =	vmul.f32 $5.000000000e-01, v3;
	v49 =	vadd.f32 v61, v60  }
0xa5: {  	v6 =	vmul.f32 $5.000000000e-01, v6;
	v12 =	vadd.f32 v12, v24;
	v24 =	vmul.f32 $5.000000000e-01, v41  }
0xa6: {  	v7 =	vmul.f32 $5.000000000e-01, v7;
	v9 =	vadd.f32 v9, v22;
	v41 =	vmul.f32 $5.000000000e-01, v45  }
0xa7: {  	v10 =	vmul.f32 $5.000000000e-01, v10;
	v14 =	vadd.f32 v14, v31;
	v45 =	vmul.f32 $5.000000000e-01, v46  }
0xa8: {  	v22 =	vadd.f32 v32, v58;
	v46 =	vmul.f32 $5.000000000e-01, v47;
	v32 =	vadd.f32 v44, v39  }
0xa9: {  	v13 =	vmul.f32 $5.000000000e-01, v13;
	v39 =	vadd.f32 v24, v42;
	v24 =	vadd.f32 v3, v62;
	[tilespmem:v18+s17+$0x0] =	vst.idx.msk $0xffff, v14  }
0xaa: {  	v31 =	vadd.f32 v6, v0;
	v3 =	vmul.f32 $5.000000000e-01, v40;
	v1 =	vadd.f32 v41, v1;
	[tilespmem:v34+s17+$0x0] =	vst.idx.msk $0xffff, v32  }
0xab: {  	v0 =	vmul.f32 $5.000000000e-01, v49;
	v4 =	vadd.f32 v45, v4;
	v34 =	vadd.f32 v7, v63;
	[tilespmem:v38+s17+$0x0] =	vst.idx.msk $0xffff, v39  }
0xac: {  	v2 =	vadd.f32 v10, v2;
	v6 =	vmul.f32 $5.000000000e-01, v12;
	v7 =	vadd.f32 v46, v43;
	[tilespmem:v37+s17+$0x0] =	vst.idx.msk $0xffff, v1  }
0xad: {  	v5 =	vadd.f32 v13, v5;
	v9 =	vmul.f32 $5.000000000e-01, v9;
	v3 =	vadd.f32 v3, v48;
	[tilespmem:v36+s17+$0x0] =	vst.idx.msk $0xffff, v4  }
0xae: {  	v10 =	vunpack.i.u.bf16.f32 v52;
	v0 =	vadd.f32 v0, v8;
	v6 =	vadd.f32 v6, v11;
	[tilespmem:v35+s17+$0x0] =	vst.idx.msk $0xffff, v7  }
0xaf: {  	v8 =	vadd.f32 v14, v22;
	v9 =	vadd.f32 v9, v10;
	[tilespmem:v33+s17+$0x0] =	vst.idx.msk $0xffff, v3;
	v33 =	vadd.s32 $0xBB, v18  }
0xb0: {  	v10 =	vmul.f32 v14, v14;
	v36 =	vadd.f32 v1, v34;
	v35 =	vadd.f32 v39, v31  }
0xb1: {  	v11 =	vmul.f32 v22, v22;
	v12 =	vadd.f32 v7, v5;
	v37 =	vadd.f32 v4, v2  }
0xb2: {  	v13 =	vmul.f32 v6, v6;
	v14 =	vmul.f32 v9, v9;
	v38 =	vadd.f32 v3, v0  }
0xb3: {  	v10 =	vadd.f32 v10, v11;
	[tilespmem:v30+s17+$0x0] =	vst.idx.msk $0xffff, v6;
	v6 =	vadd.f32 v6, v9;
	v30 =	vadd.s32 $0xDD, v18  }
0xb4: {  	v11 =	vadd.f32 v13, v14;
	v13 =	vmul.f32 v0, v0;
	v3 =	vmul.f32 v3, v3  }
0xb5: {  	v8 =	vadd.f32 v8, v26;
	v10 =	vadd.f32 v10, v27;
	[tilespmem:v29+s17+$0x0] =	vst.idx.msk $0xffff, v9;
	v29 =	vadd.s32 $0xFF, v18  }
0xb6: {  	v7 =	vmul.f32 v7, v7;
	v3 =	vadd.f32 v3, v13;
	v9 =	vmul.f32 v5, v5  }
0xb7: {  	v19 =	vadd.s32 $0x8, v19;
	v6 =	vadd.f32 v6, v8;
	v8 =	vadd.f32 v11, v10;
	[tilespmem:v28+s17+$0x0] =	vst.idx.msk $0xffff, v0  }
.Ltmp0:
0xb8: {  	v4 =	vmul.f32 v4, v4;
	v0 =	vadd.f32 v7, v9;
	v7 =	vmul.f32 v2, v2;
	(pc) =	sbr.rel @p1 .LBB2_4-.Ltmp0, $4  }
0xb9: {  	v20 =	vadd.s32 $0x8, v20;
	v6 =	vadd.f32 v38, v6;
	v3 =	vadd.f32 v3, v8;
	[tilespmem:v25+s17+$0x0] =	vst.idx.msk $0xffff, v5  }
0xba: {  	v1 =	vmul.f32 v1, v1;
	v25 =	vadd.f32 v4, v7;
	v4 =	vmul.f32 v34, v34  }
0xbb: {  	v21 =	vadd.s32 $0x8, v21;
	v26 =	vadd.f32 v12, v6;
	v27 =	vadd.f32 v0, v3;
	[tilespmem:v23+s17+$0x0] =	vst.idx.msk $0xffff, v2  }
0xbc: {  	v28 =	vmul.f32 v39, v39;
	v38 =	vmul.f32 v31, v31;
	v23 =	vadd.f32 v1, v4  }
0xbd: {  	v0 =	vadd.f32 v37, v26;
	_ =	sdelay $0x1  }
0xbe: {  	v1 =	vadd.f32 v25, v27;
	v3 =	vmul.f32 v32, v32;
	v0 =	vadd.f32 v36, v0  }
0xbf: {  	v4 =	vmul.f32 v24, v24;
	v5 =	vadd.f32 v32, v24;
	v2 =	vadd.f32 v28, v38  }
0xc0: {  	v1 =	vadd.f32 v23, v1;
	v0 =	vadd.f32 v35, v0  }
0xc1: {  	v3 =	vadd.f32 v3, v4  }
0xc2: {  	v1 =	vadd.f32 v2, v1;
	v0 =	vadd.f32 v5, v0;
	_ =	sdelay $0x1  }
0xc3: {  	v1 =	vadd.f32 v3, v1;
	v36 =	vmul.f32 $7.812500000e-03, v0;
	_ =	sdelay $0x1  }
0xc4: {  	v48 =	vmul.f32 $7.812500000e-03, v1;
	v49 =	vmul.f32 v36, v36;
	_ =	sdelay $0x1  }
0xc5: {  	v0 =	vsub.f32 v48, v49;
	_ =	sdelay $0x1  }
0xc6: {  	v0 =	vadd.f32 $9.999999960e-13, v0;
	_ =	sdelay $0x1  }
0xc7: {  	v50 =	vshra.s32 v0, $0x1;
	v0 =	vmul.f32 $5.000000000e-01, v0  }
0xc8: {  	v1 =	vsub.s32 $0x5F3759DF, v50  }
0xc9: {  	v51 =	vmul.f32 v1, v0;
	_ =	sdelay $0x1  }
0xca: {  	v2 =	vmul.f32 v1, v51;
	_ =	sdelay $0x1  }
0xcb: {  	v2 =	vsub.f32 $1.500000000e+00, v2;
	_ =	sdelay $0x1  }
0xcc: {  	v1 =	vmul.f32 v1, v2;
	_ =	sdelay $0x1  }
0xcd: {  	v2 =	vmul.f32 v1, v0  }
0xce: {  	v23 =	vld [tilespmem:$0x1FFF0]  }
0xcf: {  	v2 =	vmul.f32 v2, v1;
	_ =	sdelay $0x1  }
0xd0: {  	v2 =	vsub.f32 $1.500000000e+00, v2  }
0xd1: {  	s30 =	simm.s32 $0x1  }
0xd2: {  	v52 =	vadd.s32 s30, v23;
	v1 =	vmul.f32 v2, v1  }
0xd3: {  	s29 =	simm.s32 $0x0;
	[tilespmem:v33+s17+$0x0] =	vst.idx.msk $0xffff, v34  }
0xd4: {  	[tilespmem:v30+s17+$0x0] =	vst.idx.msk $0xffff, v31;
	v53 =	vadd.s32 s29, v23;
	v0 =	vmul.f32 v1, v0  }
0xd5: {  	[tilespmem:v29+s17+$0x0] =	vst.idx.msk $0xffff, v24  }
0xd6: {  	[tilespmem:v17+s17+$0x0] =	vst.idx.msk $0xffff, v22;
	v0 =	vmul.f32 v0, v1  }
0xd7: {  	v2 =	vld.idx.msk [tilespmem:v52+s17+$0x0], $0xffff  }
0xd8: {  	v0 =	vsub.f32 $1.500000000e+00, v0  }
0xd9: {  	v54 =	vmov s30;
	v3 =	vld.idx.msk [tilespmem:v53+s17+$0x0], $0xffff  }
0xda: {  	v24 =	vperm.xlane v36, v54;
	v37 =	vmul.f32 v0, v1  }
0xdb: {  	v55 =	vmov s29;
	v42 =	vld [tilespmem:$0x1FF00]  }
0xdc: {  	v25 =	vperm.xlane v36, v55;
	v56 =	vsub.f32 v2, v24;
	v31 =	vperm.xlane v37, v54;
	_ =	sdelay $0x1  }
0xdd: {  	v57 =	vsub.f32 v3, v25;
	v27 =	vperm.xlane v37, v55;
	v1 =	vmul.f32 v56, v31  }
0xde: {  	v54 =	vadd.s32 $0x110, v23  }
0xdf: {  	v58 =	vadd.s32 s30, v54;
	v0 =	vmul.f32 v57, v27;
	v1 =	vmul.f32 v1, v42;
	_ =	sdelay $0x1  }
0xe0: {  	s1 =	simm.s32 $0x2;
	v59 =	vadd.s32 s29, v54;
	v0 =	vmul.f32 v0, v42;
	v1 =	vadd.f32 v1, v16  }
0xe1: {  	v60 =	vadd.s32 s1, v23  }
0xe2: {  	s2 =	simm.s32 $0x3;
	v0 =	vadd.f32 v0, v16;
	[tilespmem:s28+$0x0] =	vst v1  }
0xe3: {  	v61 =	vadd.s32 s2, v23;
	v1 =	vld.idx.msk [tilespmem:v58+s17+$0x0], $0xffff  }
0xe4: {  	[tilespmem:s28+$0xFFFFFF80] =	vst v0  }
0xe5: {  	v0 =	vld.idx.msk [tilespmem:v59+s17+$0x0], $0xffff  }
0xe6: {  	v2 =	vld.idx.msk [tilespmem:v60+s17+$0x0], $0xffff  }
0xe7: {  	v14 =	vld [tilespmem:$0x1FF10]  }
0xe8: {  	v6 =	vmov s1;
	v3 =	vld.idx.msk [tilespmem:v61+s17+$0x0], $0xffff;
	v1 =	vsub.f32 v1, v24  }
0xe9: {  	v13 =	vmov v16;
	v7 =	vmov s2;
	v28 =	vperm.xlane v36, v6;
	v16 =	vld [tilespmem:$0x1FF80]  }
0xea: {  	v30 =	vperm.xlane v36, v7;
	v0 =	vsub.f32 v0, v25;
	v1 =	vmul.f32 v1, v31  }
0xeb: {  	v55 =	vadd.s32 $0x220, v23;
	v29 =	vperm.xlane v37, v6;
	v2 =	vsub.f32 v2, v28  }
0xec: {  	v62 =	vadd.s32 s30, v55;
	v0 =	vmul.f32 v0, v27;
	v1 =	vmul.f32 v1, v14  }
0xed: {  	v3 =	vsub.f32 v3, v30;
	v26 =	vperm.xlane v37, v7;
	v63 =	vadd.s32 s29, v55  }
0xee: {  	v2 =	vmul.f32 v2, v29;
	v0 =	vmul.f32 v0, v14;
	v1 =	vadd.f32 v1, v16  }
0xef: {  	v3 =	vmul.f32 v3, v26  }
0xf0: {  	v32 =	vadd.s32 s1, v54;
	v2 =	vmul.f32 v2, v42;
	v0 =	vadd.f32 v0, v16;
	[tilespmem:s28+$0x10] =	vst v1  }
0xf1: {  	v3 =	vmul.f32 v3, v42;
	v1 =	vld.idx.msk [tilespmem:v62+s17+$0x0], $0xffff  }
0xf2: {  	v33 =	vadd.s32 s2, v54;
	v2 =	vadd.f32 v2, v13;
	[tilespmem:s28+$0xFFFFFF90] =	vst v0  }
0xf3: {  	s0 =	sadd.s32 $0x100, s28;
	v3 =	vadd.f32 v3, v13;
	v0 =	vld.idx.msk [tilespmem:v63+s17+$0x0], $0xffff  }
0xf4: {  	v15 =	vld [tilespmem:$0x1FF20];
	[tilespmem:s0+$0xFFFFFF80] =	vst v2  }
0xf5: {  	[tilespmem:s0+$0x0] =	vst v3;
	v38 =	vld.idx.msk [tilespmem:v32+s17+$0x0], $0xffff  }
0xf6: {  	v17 =	vld [tilespmem:$0x1FF90];
	v1 =	vsub.f32 v1, v24  }
0xf7: {  	v39 =	vld.idx.msk [tilespmem:v33+s17+$0x0], $0xffff  }
0xf8: {  	v1 =	vmul.f32 v1, v31  }
0xf9: {  	v22 =	vadd.s32 $0x330, v23;
	v0 =	vsub.f32 v0, v25  }
0xfa: {  	s14 =	simm.s32 $0x4;
	v34 =	vadd.s32 s30, v22;
	v1 =	vmul.f32 v1, v15  }
0xfb: {  	s13 =	simm.s32 $0x5;
	v45 =	vadd.s32 s14, v23;
	v43 =	vsub.f32 v38, v28;
	v0 =	vmul.f32 v0, v27  }
0xfc: {  	v46 =	vadd.s32 s13, v23;
	v44 =	vsub.f32 v39, v30;
	v1 =	vadd.f32 v1, v17  }
0xfd: {  	v35 =	vadd.s32 s29, v22;
	v2 =	vmul.f32 v43, v29;
	v0 =	vmul.f32 v0, v15  }
0xfe: {  	v3 =	vmul.f32 v44, v26;
	[tilespmem:s28+$0x20] =	vst v1  }
0xff: {  	v47 =	vadd.s32 s1, v55;
	v2 =	vmul.f32 v2, v14;
	v0 =	vadd.f32 v0, v17;
	v40 =	vld.idx.msk [tilespmem:v34+s17+$0x0], $0xffff  }
0x100: {  	v4 =	vld.idx.msk [tilespmem:v45+s17+$0x0], $0xffff;
	v3 =	vmul.f32 v3, v14  }
0x101: {  	v5 =	vld.idx.msk [tilespmem:v46+s17+$0x0], $0xffff;
	v2 =	vadd.f32 v2, v16;
	[tilespmem:s28+$0xFFFFFFA0] =	vst v0  }
0x102: {  	v48 =	vadd.s32 s2, v55;
	v3 =	vadd.f32 v3, v16;
	v41 =	vld.idx.msk [tilespmem:v35+s17+$0x0], $0xffff  }
0x103: {  	v58 =	vld [tilespmem:$0x1FF30];
	[tilespmem:s0+$0xFFFFFF90] =	vst v2  }
0x104: {  	[tilespmem:s0+$0x10] =	vst v3;
	v50 =	vld.idx.msk [tilespmem:v47+s17+$0x0], $0xffff;
	v0 =	vsub.f32 v40, v24  }
0x105: {  	v10 =	vmov s13;
	v49 =	vmov s14;
	v18 =	vld [tilespmem:$0x1FFA0]  }
0x106: {  	v56 =	vadd.s32 $0x440, v23;
	v33 =	vperm.xlane v36, v49;
	v0 =	vmul.f32 v0, v31  }
0x107: {  	v9 =	vadd.s32 s30, v56;
	v32 =	vperm.xlane v36, v10;
	v51 =	vld.idx.msk [tilespmem:v48+s17+$0x0], $0xffff;
	v1 =	vsub.f32 v41, v25  }
0x108: {  	v52 =	vsub.f32 v4, v33;
	v34 =	vperm.xlane v37, v49;
	v0 =	vmul.f32 v0, v58  }
0x109: {  	v53 =	vsub.f32 v5, v32;
	v3 =	vsub.f32 v50, v28;
	v1 =	vmul.f32 v1, v27  }
0x10a: {  	v35 =	vperm.xlane v37, v10;
	v2 =	vmul.f32 v52, v34;
	v0 =	vadd.f32 v0, v18  }
0x10b: {  	v8 =	vadd.s32 s29, v56;
	v3 =	vmul.f32 v3, v29;
	v1 =	vmul.f32 v1, v58  }
0x10c: {  	v2 =	vmul.f32 v2, v42;
	v60 =	vsub.f32 v51, v30;
	[tilespmem:s28+$0x30] =	vst v0;
	v0 =	vmul.f32 v53, v35  }
0x10d: {  	v61 =	vadd.s32 s14, v54;
	v3 =	vmul.f32 v3, v15;
	v1 =	vadd.f32 v1, v18  }
0x10e: {  	v2 =	vadd.f32 v2, v13;
	v5 =	vmul.f32 v60, v26;
	v0 =	vmul.f32 v0, v42  }
0x10f: {  	s3 =	sadd.s32 $0x100, s0;
	v62 =	vadd.s32 s13, v54;
	v3 =	vadd.f32 v3, v17;
	[tilespmem:s28+$0xFFFFFFB0] =	vst v1;
	v57 =	vld.idx.msk [tilespmem:v9+s17+$0x0], $0xffff  }
0x110: {  	[tilespmem:s3+$0xFFFFFF80] =	vst v2;
	v5 =	vmul.f32 v5, v15;
	v59 =	vld.idx.msk [tilespmem:v8+s17+$0x0], $0xffff;
	v0 =	vadd.f32 v0, v13  }
0x111: {  	v8 =	vadd.s32 s1, v22;
	[tilespmem:s0+$0xFFFFFFA0] =	vst v3  }
0x112: {  	v63 =	vadd.s32 s2, v22;
	v39 =	vld.idx.msk [tilespmem:v61+s17+$0x0], $0xffff;
	v5 =	vadd.f32 v5, v17;
	[tilespmem:s3+$0x0] =	vst v0  }
0x113: {  	v19 =	vld [tilespmem:$0x1FF40]  }
0x114: {  	v1 =	vsub.f32 v57, v24;
	v40 =	vld.idx.msk [tilespmem:v62+s17+$0x0], $0xffff;
	[tilespmem:s0+$0x20] =	vst v5  }
0x115: {  	v4 =	vsub.f32 v59, v25;
	v21 =	vld [tilespmem:$0x1FFB0]  }
0x116: {  	v8 =	vld.idx.msk [tilespmem:v8+s17+$0x0], $0xffff;
	v38 =	vmul.f32 v1, v31  }
0x117: {  	s7 =	simm.s32 $0x7;
	s11 =	simm.s32 $0x6;
	v4 =	vmul.f32 v4, v27;
	v2 =	vld.idx.msk [tilespmem:v63+s17+$0x0], $0xffff  }
0x118: {  	v47 =	vadd.s32 s7, v23;
	v9 =	vadd.s32 s11, v23;
	v0 =	vmul.f32 v38, v19  }
0x119: {  	v57 =	vadd.s32 $0x550, v23;
	v1 =	vsub.f32 v39, v33;
	v4 =	vmul.f32 v4, v19  }
0x11a: {  	v41 =	vadd.s32 s30, v57;
	v44 =	vsub.f32 v40, v32;
	v0 =	vadd.f32 v0, v21  }
0x11b: {  	v1 =	vmul.f32 v1, v34;
	v45 =	vsub.f32 v8, v28;
	v4 =	vadd.f32 v4, v21  }
0x11c: {  	v43 =	vadd.s32 s29, v57;
	v2 =	vsub.f32 v2, v30;
	[tilespmem:s28+$0x40] =	vst v0;
	v0 =	vmul.f32 v44, v35  }
0x11d: {  	v8 =	vadd.s32 s14, v55;
	v1 =	vmul.f32 v1, v14;
	[tilespmem:s28+$0xFFFFFFC0] =	vst v4;
	v4 =	vmul.f32 v45, v29  }
0x11e: {  	v48 =	vadd.s32 s13, v55;
	v6 =	vld.idx.msk [tilespmem:v47+s17+$0x0], $0xffff;
	v2 =	vmul.f32 v2, v26;
	v0 =	vmul.f32 v0, v14  }
0x11f: {  	v9 =	vld.idx.msk [tilespmem:v9+s17+$0x0], $0xffff;
	v1 =	vadd.f32 v1, v16;
	v4 =	vmul.f32 v4, v58  }
0x120: {  	v3 =	vld.idx.msk [tilespmem:v41+s17+$0x0], $0xffff;
	v50 =	vmul.f32 v2, v58;
	v0 =	vadd.f32 v0, v16  }
0x121: {  	v51 =	vadd.s32 s2, v56;
	[tilespmem:s3+$0xFFFFFF90] =	vst v1;
	v46 =	vld.idx.msk [tilespmem:v43+s17+$0x0], $0xffff;
	v4 =	vadd.f32 v4, v18  }
0x122: {  	v10 =	vadd.s32 s1, v56;
	v49 =	vmov s7;
	v8 =	vld.idx.msk [tilespmem:v8+s17+$0x0], $0xffff;
	[tilespmem:s3+$0x10] =	vst v0;
	v0 =	vadd.f32 v50, v18  }
0x123: {  	v60 =	vadd.s32 $0x660, v23;
	v53 =	vmov s11;
	v39 =	vperm.xlane v36, v49;
	[tilespmem:s0+$0xFFFFFFB0] =	vst v4;
	v7 =	vld.idx.msk [tilespmem:v48+s17+$0x0], $0xffff  }
0x124: {  	v11 =	vadd.s32 s29, v60;
	v41 =	vperm.xlane v36, v53;
	v62 =	vld [tilespmem:$0x1FF50];
	[tilespmem:s0+$0x30] =	vst v0  }
0x125: {  	v59 =	vsub.f32 v6, v39;
	v38 =	vperm.xlane v37, v49;
	v3 =	vsub.f32 v3, v24;
	v20 =	vld [tilespmem:$0x1FFC0]  }
0x126: {  	v40 =	vperm.xlane v37, v53;
	v5 =	vsub.f32 v46, v25;
	v46 =	vsub.f32 v9, v41;
	v2 =	vld.idx.msk [tilespmem:v51+s17+$0x0], $0xffff  }
0x127: {  	v12 =	vadd.s32 s30, v60;
	v3 =	vmul.f32 v3, v31;
	v0 =	vmul.f32 v59, v38  }
0x128: {  	v63 =	vsub.f32 v8, v33;
	v44 =	vld.idx.msk [tilespmem:v10+s17+$0x0], $0xffff;
	v5 =	vmul.f32 v5, v27;
	v1 =	vmul.f32 v46, v40  }
0x129: {  	v48 =	vadd.s32 s7, v54;
	v0 =	vmul.f32 v0, v42;
	v3 =	vmul.f32 v3, v62  }
0x12a: {  	v1 =	vmul.f32 v1, v42;
	v52 =	vmul.f32 v5, v62;
	v45 =	vsub.f32 v7, v32  }
0x12b: {  	v61 =	vadd.f32 v3, v20;
	v3 =	vmul.f32 v63, v34;
	v2 =	vsub.f32 v2, v30  }
0x12c: {  	v0 =	vadd.f32 v0, v13;
	v4 =	vadd.f32 v52, v20;
	v5 =	vmul.f32 v45, v35  }
0x12d: {  	v6 =	vsub.f32 v44, v28;
	[tilespmem:s28+$0x50] =	vst v61;
	v3 =	vmul.f32 v3, v15;
	v49 =	vmul.f32 v2, v26  }
0x12e: {  	s20 =	sadd.s32 $0x100, s3;
	v9 =	vadd.s32 s14, v22;
	v1 =	vadd.f32 v1, v13;
	[tilespmem:s28+$0xFFFFFFD0] =	vst v4;
	v5 =	vmul.f32 v5, v15;
	v8 =	vld.idx.msk [tilespmem:v12+s17+$0x0], $0xffff  }
0x12f: {  	[tilespmem:s20+$0x0] =	vst v0;
	v10 =	vld.idx.msk [tilespmem:v11+s17+$0x0], $0xffff;
	v3 =	vadd.f32 v3, v17;
	v0 =	vmul.f32 v49, v19  }
0x130: {  	v6 =	vmul.f32 v6, v29;
	[tilespmem:s20+$0xFFFFFF80] =	vst v1;
	v5 =	vadd.f32 v5, v17  }
0x131: {  	v4 =	vld.idx.msk [tilespmem:v48+s17+$0x0], $0xffff;
	[tilespmem:s3+$0xFFFFFFA0] =	vst v3;
	v0 =	vadd.f32 v0, v21  }
0x132: {  	v52 =	vmul.f32 v6, v19;
	v11 =	vadd.s32 s11, v54;
	v63 =	vld [tilespmem:$0x1FF60];
	[tilespmem:s3+$0x20] =	vst v5  }
0x133: {  	v50 =	vsub.f32 v8, v24;
	v8 =	vld.idx.msk [tilespmem:v9+s17+$0x0], $0xffff;
	[tilespmem:s0+$0x40] =	vst v0  }
0x134: {  	v47 =	vadd.s32 s13, v22;
	v12 =	vmovc v21;
	v3 =	vadd.f32 v52, v21;
	v9 =	vsub.f32 v10, v25;
	v21 =	vld [tilespmem:$0x1FFD0]  }
0x135: {  	v2 =	vadd.s32 s1, v57;
	v51 =	vmul.f32 v50, v31  }
0x136: {  	v61 =	vadd.s32 $0x770, v23;
	v10 =	vadd.s32 s2, v57;
	v9 =	vmul.f32 v9, v27  }
0x137: {  	v53 =	vld.idx.msk [tilespmem:v11+s17+$0x0], $0xffff;
	v11 =	vadd.s32 s30, v61;
	v1 =	vmul.f32 v51, v63  }
0x138: {  	v59 =	vmul.f32 v9, v63  }
0x139: {  	v4 =	vsub.f32 v4, v39;
	v47 =	vld.idx.msk [tilespmem:v47+s17+$0x0], $0xffff;
	[tilespmem:s0+$0xFFFFFFC0] =	vst v3;
	v42 =	vadd.f32 v1, v21  }
0x13a: {  	v46 =	vld.idx.msk [tilespmem:v2+s17+$0x0], $0xffff;
	v43 =	vsub.f32 v8, v33;
	v59 =	vadd.f32 v59, v21  }
0x13b: {  	v45 =	vld.idx.msk [tilespmem:v10+s17+$0x0], $0xffff;
	[tilespmem:s28+$0x60] =	vst v42  }
0x13c: {  	v48 =	vadd.s32 s14, v56;
	v3 =	vmul.f32 v4, v38;
	v51 =	vmul.f32 v43, v34;
	[tilespmem:s28+$0xFFFFFFE0] =	vst v59;
	v43 =	vld.idx.msk [tilespmem:v11+s17+$0x0], $0xffff  }
0x13d: {  	v44 =	vadd.s32 s29, v61;
	v49 =	vadd.s32 s7, v55;
	v50 =	vadd.s32 s11, v55;
	v59 =	vld [tilespmem:$0x1FFE0]  }
0x13e: {  	s21 =	simm.s32 $0x8;
	s29 =	smov.u32 s28;
	v52 =	vsub.f32 v53, v41;
	v53 =	vmul.f32 v3, v14;
	v42 =	vadd.s32 s1, v60;
	v11 =	vmovc v14;
	v23 =	vld [tilespmem:$0x1FF70]  }
.LBB2_6:
0x13f: {  	v9 =	vld [tilespmem:$0x1FFF0];
	_ =	sdelay $0x2  }
0x140: {  	v0 =	vmul.f32 v52, v40  }
0x141: {  	s30 =	sadd.s32 $0x1, s21;
	v1 =	vmul.f32 v51, v58;
	v4 =	vadd.f32 v53, v16;
	v5 =	vsub.f32 v47, v32  }
0x142: {  	v6 =	vld.idx.msk [tilespmem:v44+s17+$0x0], $0xffff;
	v0 =	vmul.f32 v0, v11;
	v3 =	vadd.s32 s30, v9  }
0x143: {  	v1 =	vadd.f32 v1, v18;
	[tilespmem:s20+$0x10] =	vst v4;
	v8 =	vsub.f32 v45, v30;
	v47 =	vmul.f32 v5, v35  }
0x144: {  	s22 =	smov.u32 s21;
	v7 =	vmov s30;
	v51 =	vsub.f32 v46, v28;
	v10 =	vld.idx.msk [tilespmem:v49+s17+$0x0], $0xffff;
	v52 =	vsub.f32 v43, v24;
	v24 =	vmovc v30;
	v30 =	vmovc v32  }
0x145: {  	v32 =	vmovc v39;
	v39 =	vperm.xlane v36, v7;
	v9 =	vadd.s32 s22, v9;
	v0 =	vadd.f32 v0, v16;
	[tilespmem:s3+$0xFFFFFFB0] =	vst v1  }
0x146: {  	v2 =	vadd.s32 s2, v60;
	v43 =	vmovc v11;
	v7 =	vperm.xlane v37, v7;
	v8 =	vmul.f32 v8, v26;
	v11 =	vld.idx.msk [tilespmem:v48+s17+$0x0], $0xffff  }
0x147: {  	v44 =	vmov v12;
	v6 =	vsub.f32 v6, v25;
	v4 =	vmul.f32 v47, v58;
	[tilespmem:s20+$0xFFFFFF90] =	vst v0;
	v3 =	vld.idx.msk [tilespmem:v3+s17+$0x0], $0xffff  }
0x148: {  	v12 =	vadd.s32 s13, v56;
	v25 =	vmovc v28;
	v53 =	vmul.f32 v51, v29;
	v1 =	vmul.f32 v52, v31;
	v45 =	vld.idx.msk [tilespmem:v50+s17+$0x0], $0xffff  }
0x149: {  	v28 =	vmovc v33;
	v31 =	vmovc v13;
	v13 =	vmov s22;
	v8 =	vmul.f32 v8, v62;
	v46 =	vmul.f32 v6, v27  }
0x14a: {  	v47 =	vperm.xlane v36, v13;
	v4 =	vadd.f32 v4, v18;
	v0 =	vmul.f32 v53, v62;
	v9 =	vld.idx.msk [tilespmem:v9+s17+$0x0], $0xffff  }
0x14b: {  	v33 =	vmovc v41;
	v1 =	vmul.f32 v1, v23;
	v50 =	vld [tilespmem:$0x1FF00];
	v8 =	vadd.f32 v8, v20;
	v10 =	vsub.f32 v10, v32  }
0x14c: {  	v13 =	vperm.xlane v37, v13;
	v27 =	vmovc v29;
	v0 =	vadd.f32 v0, v20;
	v3 =	vsub.f32 v3, v39  }
0x14d: {  	[tilespmem:s3+$0x30] =	vst v4;
	v4 =	vmul.f32 v46, v23;
	v51 =	vadd.f32 v1, v59;
	v5 =	vsub.f32 v45, v33  }
0x14e: {  	v41 =	vmov v47;
	v12 =	vld.idx.msk [tilespmem:v12+s17+$0x0], $0xffff;
	[tilespmem:s0+$0x50] =	vst v8;
	v10 =	vmul.f32 v10, v38;
	v3 =	vmul.f32 v3, v7  }
0x14f: {  	v6 =	vsub.f32 v11, v28;
	v2 =	vld.idx.msk [tilespmem:v2+s17+$0x0], $0xffff;
	v49 =	vsub.f32 v9, v41;
	v5 =	vmul.f32 v5, v40  }
0x150: {  	v29 =	vmovc v34;
	[tilespmem:s0+$0xFFFFFFD0] =	vst v0;
	v48 =	vadd.f32 v4, v59;
	v9 =	vadd.s32 s30, v54;
	v3 =	vmul.f32 v3, v50  }
0x151: {  	v8 =	vadd.s32 s11, v22;
	[tilespmem:s29+$0x70] =	vst v51;
	v11 =	vld.idx.msk [tilespmem:v42+s17+$0x0], $0xffff;
	v52 =	vmul.f32 v49, v13;
	v53 =	vmul.f32 v5, v15  }
0x152: {  	v10 =	vmul.f32 v10, v15;
	v6 =	vmul.f32 v6, v29;
	[tilespmem:s29+$0xFFFFFFF0] =	vst v48;
	s29 =	smov.u32 s0;
	v3 =	vadd.f32 v3, v31  }
0x153: {  	v34 =	vmovc v40;
	s0 =	smov.u32 s3;
	s3 =	smov.u32 s20;
	v48 =	vadd.s32 s22, v54;
	s20 =	sadd.s32 $0x100, s20;
	v47 =	vmul.f32 v52, v50;
	v4 =	vadd.f32 v53, v17  }
0x154: {  	v40 =	vmovc v13;
	v46 =	vsub.f32 v12, v30;
	v13 =	vmov v31;
	v2 =	vsub.f32 v2, v24;
	[tilespmem:s20+$0x0] =	vst v3  }
0x155: {  	v14 =	vadd.s32 s7, v22;
	v31 =	vmovc v26;
	v26 =	vmov v35;
	v0 =	vadd.f32 v47, v13;
	[tilespmem:s3+$0xFFFFFFA0] =	vst v4;
	v9 =	vld.idx.msk [tilespmem:v9+s17+$0x0], $0xffff  }
0x156: {  	v49 =	vadd.f32 v10, v17;
	v53 =	vsub.f32 v11, v25;
	v10 =	vmul.f32 v46, v26;
	v8 =	vld.idx.msk [tilespmem:v8+s17+$0x0], $0xffff  }
0x157: {  	v51 =	vmul.f32 v6, v19;
	v12 =	vmovc v44;
	v5 =	vadd.s32 s14, v57;
	v2 =	vmul.f32 v2, v31;
	[tilespmem:s20+$0xFFFFFF80] =	vst v0  }
0x158: {  	v50 =	vadd.s32 s13, v57;
	v11 =	vmovc v43;
	v0 =	vmul.f32 v53, v27;
	v52 =	vmul.f32 v10, v19;
	v1 =	vld.idx.msk [tilespmem:v48+s17+$0x0], $0xffff  }
0x159: {  	p1 =	slt.u32 s21, $0xE;
	v35 =	vmovc v38;
	v38 =	vmovc v7;
	v7 =	vadd.s32 s2, v61;
	s2 =	smov.u32 s13;
	v3 =	vadd.f32 v51, v44;
	v2 =	vmul.f32 v2, v63  }
.Ltmp1:
0x15a: {  	s13 =	smov.u32 s7;
	s7 =	smov.u32 s30;
	[tilespmem:s3+$0x20] =	vst v49;
	v0 =	vmul.f32 v0, v63;
	v6 =	vadd.f32 v52, v44;
	v42 =	vsub.f32 v9, v39;
	(pc) =	sbr.rel @p1 .LBB2_6-.Ltmp1, $4  }
0x15b: {  	v49 =	vadd.s32 s7, v55;
	v47 =	vld.idx.msk [tilespmem:v14+s17+$0x0], $0xffff;
	[tilespmem:s0+$0xFFFFFFC0] =	vst v3;
	v2 =	vadd.f32 v2, v21;
	v43 =	vsub.f32 v8, v33  }
0x15c: {  	v44 =	vadd.s32 s1, v61;
	s1 =	smov.u32 s14;
	s14 =	smov.u32 s11;
	v46 =	vld.idx.msk [tilespmem:v5+s17+$0x0], $0xffff;
	v0 =	vadd.f32 v0, v21;
	[tilespmem:s0+$0x40] =	vst v6;
	v6 =	vmul.f32 v42, v38  }
0x15d: {  	s11 =	smov.u32 s22;
	v48 =	vadd.s32 s14, v56;
	v45 =	vld.idx.msk [tilespmem:v50+s17+$0x0], $0xffff;
	[tilespmem:s29+$0x60] =	vst v2;
	v52 =	vsub.f32 v1, v41;
	v51 =	vmul.f32 v43, v34  }
0x15e: {  	s21 =	sadd.s32 $0x2, s21;
	v50 =	vadd.s32 s11, v55;
	[tilespmem:s29+$0xFFFFFFE0] =	vst v0;
	v43 =	vld.idx.msk [tilespmem:v7+s17+$0x0], $0xffff;
	v42 =	vadd.s32 s1, v60;
	v53 =	vmul.f32 v6, v11  }
0x15f: {  	v0 =	vmul.f32 v52, v40;
	_ =	sdelay $0x1  }
0x160: {  	v0 =	vmul.f32 v0, v11  }
0x161: {  	v1 =	vadd.f32 v53, v16  }
0x162: {  	v0 =	vadd.f32 v0, v16  }
0x163: {  	[tilespmem:s20+$0x10] =	vst v1  }
0x164: {  	v1 =	vld.idx.msk [tilespmem:v49+s17+$0x0], $0xffff;
	[tilespmem:s20+$0xFFFFFF90] =	vst v0  }
0x165: {  	v0 =	vld.idx.msk [tilespmem:v50+s17+$0x0], $0xffff;
	_ =	sdelay $0x3  }
0x166: {  	v1 =	vsub.f32 v1, v39  }
0x167: {  	v0 =	vsub.f32 v0, v41  }
0x168: {  	v1 =	vmul.f32 v1, v38  }
0x169: {  	v0 =	vmul.f32 v0, v40  }
0x16a: {  	v3 =	vadd.s32 s7, v22;
	v1 =	vmul.f32 v1, v15  }
0x16b: {  	v2 =	vadd.s32 s11, v22;
	v0 =	vmul.f32 v0, v15  }
0x16c: {  	v1 =	vadd.f32 v1, v17  }
0x16d: {  	v0 =	vadd.f32 v0, v17  }
0x16e: {  	[tilespmem:s20+$0x20] =	vst v1  }
0x16f: {  	v1 =	vld.idx.msk [tilespmem:v3+s17+$0x0], $0xffff;
	[tilespmem:s20+$0xFFFFFFA0] =	vst v0  }
0x170: {  	v0 =	vld.idx.msk [tilespmem:v2+s17+$0x0], $0xffff;
	_ =	sdelay $0x2  }
0x171: {  	v7 =	vsub.f32 v47, v32  }
0x172: {  	v8 =	vmul.f32 v51, v58;
	v1 =	vsub.f32 v1, v39  }
0x173: {  	v2 =	vmul.f32 v7, v35;
	v0 =	vsub.f32 v0, v41  }
0x174: {  	v3 =	vadd.f32 v8, v18;
	v1 =	vmul.f32 v1, v38  }
0x175: {  	v4 =	vadd.s32 s13, v56;
	v2 =	vmul.f32 v2, v58;
	v0 =	vmul.f32 v0, v40  }
0x176: {  	v6 =	vadd.s32 s7, v56;
	[tilespmem:s3+$0xFFFFFFB0] =	vst v3;
	v1 =	vmul.f32 v1, v58  }
0x177: {  	v5 =	vadd.s32 s11, v56;
	v3 =	vld.idx.msk [tilespmem:v48+s17+$0x0], $0xffff;
	v2 =	vadd.f32 v2, v18;
	v0 =	vmul.f32 v0, v58  }
0x178: {  	v1 =	vadd.f32 v1, v18  }
0x179: {  	[tilespmem:s3+$0x30] =	vst v2;
	v0 =	vadd.f32 v0, v18  }
0x17a: {  	v2 =	vld.idx.msk [tilespmem:v4+s17+$0x0], $0xffff;
	[tilespmem:s20+$0x30] =	vst v1  }
0x17b: {  	v1 =	vld.idx.msk [tilespmem:v6+s17+$0x0], $0xffff;
	[tilespmem:s20+$0xFFFFFFB0] =	vst v0  }
0x17c: {  	v3 =	vsub.f32 v3, v33;
	v0 =	vld.idx.msk [tilespmem:v5+s17+$0x0], $0xffff;
	_ =	sdelay $0x1  }
0x17d: {  	v3 =	vmul.f32 v3, v34  }
0x17e: {  	v2 =	vsub.f32 v2, v32  }
0x17f: {  	v9 =	vadd.s32 s14, v57;
	v3 =	vmul.f32 v3, v19;
	v1 =	vsub.f32 v1, v39  }
0x180: {  	v2 =	vmul.f32 v2, v35;
	v0 =	vsub.f32 v0, v41  }
0x181: {  	v3 =	vadd.f32 v3, v12;
	v1 =	vmul.f32 v1, v38  }
0x182: {  	v10 =	vadd.s32 s13, v57;
	v2 =	vmul.f32 v2, v19;
	v0 =	vmul.f32 v0, v40  }
0x183: {  	v7 =	vadd.s32 s7, v57;
	[tilespmem:s3+$0xFFFFFFC0] =	vst v3;
	v1 =	vmul.f32 v1, v19  }
0x184: {  	v11 =	vadd.s32 s11, v57;
	v16 =	vld.idx.msk [tilespmem:v9+s17+$0x0], $0xffff;
	v2 =	vadd.f32 v2, v12;
	v0 =	vmul.f32 v0, v19  }
0x185: {  	v1 =	vadd.f32 v1, v12  }
0x186: {  	[tilespmem:s3+$0x40] =	vst v2;
	v0 =	vadd.f32 v0, v12  }
0x187: {  	v18 =	vld.idx.msk [tilespmem:v10+s17+$0x0], $0xffff;
	[tilespmem:s20+$0x40] =	vst v1  }
0x188: {  	v17 =	vsub.f32 v45, v30;
	v37 =	vld.idx.msk [tilespmem:v7+s17+$0x0], $0xffff;
	[tilespmem:s20+$0xFFFFFFC0] =	vst v0  }
0x189: {  	v2 =	vsub.f32 v16, v33;
	v36 =	vld.idx.msk [tilespmem:v11+s17+$0x0], $0xffff  }
0x18a: {  	v3 =	vmul.f32 v17, v26  }
0x18b: {  	v45 =	vadd.s32 s2, v60;
	v2 =	vmul.f32 v2, v34;
	v19 =	vsub.f32 v46, v28  }
0x18c: {  	v3 =	vmul.f32 v3, v62;
	v46 =	vadd.s32 s14, v60;
	v4 =	vsub.f32 v18, v32  }
0x18d: {  	v2 =	vmul.f32 v2, v62;
	v0 =	vmul.f32 v19, v29;
	v5 =	vsub.f32 v37, v39  }
0x18e: {  	v3 =	vadd.f32 v3, v20;
	v4 =	vmul.f32 v4, v35;
	v1 =	vsub.f32 v36, v41  }
0x18f: {  	v2 =	vadd.f32 v2, v20;
	v0 =	vmul.f32 v0, v62;
	v5 =	vmul.f32 v5, v38  }
0x190: {  	v47 =	vadd.s32 s13, v60;
	[tilespmem:s0+$0x50] =	vst v3;
	v4 =	vmul.f32 v4, v62;
	v1 =	vmul.f32 v1, v40  }
0x191: {  	v9 =	vadd.s32 s7, v60;
	v6 =	vld.idx.msk [tilespmem:v45+s17+$0x0], $0xffff;
	[tilespmem:s3+$0xFFFFFFD0] =	vst v2;
	v0 =	vadd.f32 v0, v20;
	v5 =	vmul.f32 v5, v62  }
0x192: {  	v8 =	vadd.s32 s11, v60;
	v2 =	vld.idx.msk [tilespmem:v46+s17+$0x0], $0xffff;
	v4 =	vadd.f32 v4, v20;
	v1 =	vmul.f32 v1, v62  }
0x193: {  	[tilespmem:s0+$0xFFFFFFD0] =	vst v0;
	v49 =	vadd.f32 v5, v20  }
0x194: {  	v48 =	vld.idx.msk [tilespmem:v42+s17+$0x0], $0xffff;
	[tilespmem:s3+$0x50] =	vst v4;
	v1 =	vadd.f32 v1, v20  }
0x195: {  	v0 =	vld.idx.msk [tilespmem:v47+s17+$0x0], $0xffff;
	[tilespmem:s20+$0x50] =	vst v49  }
0x196: {  	v50 =	vsub.f32 v6, v30;
	v53 =	vld.idx.msk [tilespmem:v9+s17+$0x0], $0xffff;
	[tilespmem:s20+$0xFFFFFFD0] =	vst v1  }
0x197: {  	v2 =	vsub.f32 v2, v33;
	v52 =	vld.idx.msk [tilespmem:v8+s17+$0x0], $0xffff  }
0x198: {  	v58 =	vadd.s32 s2, v61;
	v4 =	vmul.f32 v50, v26  }
0x199: {  	v17 =	vadd.s32 s14, v61;
	v2 =	vmul.f32 v2, v34;
	v51 =	vsub.f32 v48, v28  }
0x19a: {  	v4 =	vmul.f32 v4, v63;
	v62 =	vadd.s32 s1, v61;
	v0 =	vsub.f32 v0, v32  }
0x19b: {  	v2 =	vmul.f32 v2, v63;
	v1 =	vmul.f32 v51, v29;
	v5 =	vsub.f32 v53, v39  }
0x19c: {  	v4 =	vadd.f32 v4, v21;
	v0 =	vmul.f32 v0, v35;
	v3 =	vsub.f32 v52, v41  }
0x19d: {  	v18 =	vadd.f32 v2, v21;
	v1 =	vmul.f32 v1, v63;
	v5 =	vmul.f32 v5, v38  }
0x19e: {  	v16 =	vld.idx.msk [tilespmem:v44+s17+$0x0], $0xffff;
	v10 =	vadd.s32 s13, v61;
	[tilespmem:s0+$0x60] =	vst v4;
	v0 =	vmul.f32 v0, v63;
	v3 =	vmul.f32 v3, v40  }
0x19f: {  	v37 =	vadd.s32 s7, v61;
	v6 =	vld.idx.msk [tilespmem:v58+s17+$0x0], $0xffff;
	[tilespmem:s3+$0xFFFFFFE0] =	vst v18;
	v1 =	vadd.f32 v1, v21;
	v5 =	vmul.f32 v5, v63  }
0x1a0: {  	v19 =	vadd.s32 s11, v61;
	v45 =	vld.idx.msk [tilespmem:v17+s17+$0x0], $0xffff;
	v0 =	vadd.f32 v0, v21;
	v3 =	vmul.f32 v3, v63  }
0x1a1: {  	[tilespmem:s0+$0xFFFFFFE0] =	vst v1;
	v5 =	vadd.f32 v5, v21  }
0x1a2: {  	v44 =	vsub.f32 v43, v24;
	v36 =	vld.idx.msk [tilespmem:v62+s17+$0x0], $0xffff;
	[tilespmem:s3+$0x60] =	vst v0;
	v42 =	vadd.f32 v3, v21  }
0x1a3: {  	v8 =	vsub.f32 v16, v25;
	v46 =	vld.idx.msk [tilespmem:v10+s17+$0x0], $0xffff;
	[tilespmem:s20+$0x60] =	vst v5  }
0x1a4: {  	v47 =	vmul.f32 v44, v31;
	v6 =	vsub.f32 v6, v30;
	v5 =	vld.idx.msk [tilespmem:v37+s17+$0x0], $0xffff;
	[tilespmem:s20+$0xFFFFFFE0] =	vst v42  }
0x1a5: {  	v8 =	vmul.f32 v8, v27;
	v0 =	vsub.f32 v45, v33;
	v2 =	vld.idx.msk [tilespmem:v19+s17+$0x0], $0xffff  }
0x1a6: {  	v1 =	vmul.f32 v47, v23;
	v6 =	vmul.f32 v6, v26  }
0x1a7: {  	v48 =	vmul.f32 v8, v23;
	v0 =	vmul.f32 v0, v34;
	v4 =	vsub.f32 v36, v28  }
0x1a8: {  	v1 =	vadd.f32 v1, v59;
	v6 =	vmul.f32 v6, v23;
	v49 =	vsub.f32 v46, v32  }
0x1a9: {  	v0 =	vmul.f32 v0, v23;
	v4 =	vmul.f32 v4, v29;
	v5 =	vsub.f32 v5, v39  }
0x1aa: {  	v51 =	vadd.f32 v6, v59;
	v7 =	vmul.f32 v49, v35;
	v2 =	vsub.f32 v2, v41  }
0x1ab: {  	[tilespmem:s29+$0x70] =	vst v1;
	v3 =	vadd.f32 v48, v59;
	v4 =	vmul.f32 v4, v23;
	v5 =	vmul.f32 v5, v38  }
0x1ac: {  	s26 =	sadd.s32 $0x1, s26;
	v0 =	vadd.f32 v0, v59;
	[tilespmem:s0+$0x70] =	vst v51;
	v52 =	vmul.f32 v7, v23;
	v2 =	vmul.f32 v2, v40  }
0x1ad: {  	p1 =	sne.s32 s26, $0x14;
	[tilespmem:s29+$0xFFFFFFF0] =	vst v3;
	v50 =	vadd.f32 v4, v59;
	v58 =	vmul.f32 v5, v23  }
.Ltmp2:
0x1ae: {  	[tilespmem:s3+$0xFFFFFFF0] =	vst v0;
	v53 =	vadd.f32 v52, v59;
	v2 =	vmul.f32 v2, v23;
	(pc) =	sbr.rel @p1 .LBB2_3-.Ltmp2, $4  }
0x1af: {  	[tilespmem:s0+$0xFFFFFFF0] =	vst v50;
	v63 =	vadd.f32 v58, v59  }
0x1b0: {  	[tilespmem:s3+$0x70] =	vst v53;
	v62 =	vadd.f32 v2, v59  }
0x1b1: {  	[tilespmem:s20+$0x70] =	vst v63  }
0x1b2: {  	s28 =	sadd.s32 $0x800, s28;
	[tilespmem:s20+$0xFFFFFFF0] =	vst v62  }
0x1b3: {  	s0 =	sshll.u32 s25, $0x4;
	s24 =	sadd.s32 s24, s10  }
0x1b4: {  	s1 =	simm.s32 $0x3F80;
	s0 =	sadd.s32 s4, s0;
	s30 =	sshrl.u32 s24, $0x3  }
0x1b5: {  	[hbm4b:s0+s5] =	stream.linear.scatter [tilespmem:s1], [sflag:$0x1], $0xA000, $0x38;
	[tilespmem:$0x17F80] =	vst v63  }
0x1b6: {  	s31 =	sadd.s32 s8, s30  }
0x1b7: {  	[tilespmem:s15], [sflag:$0x3] =	stream.linear.gather [hbm4b:s31+s5], $0x140, $0x38;
	[tilespmem:$0x17F80] =	vst v63  }
0x1b8: {  	_ =	swait.ge [sflag:s12], $0x140  }
0x1b9: {  	[sflag:s12] =	ssyncset.done $0x0  }
0x1ba: {  	s0 =	sadd.s32 s9, s30;
	[sflag:s12] =	ssyncadd.s32 $0xFFFFFEC0  }
0x1bb: {  	[tilespmem:s16], [sflag:$0x3] =	stream.linear.gather [hbm4b:s0+s5], $0x140, $0x38;
	[tilespmem:$0x17F80] =	vst v63  }
0x1bc: {  	_ =	swait.ge [sflag:s12], $0x140  }
0x1bd: {  	[sflag:s12] =	ssyncset.done $0x0  }
0x1be: {  	s0 =	simm.s32 @!p0 $0x2;
	[sflag:s12] =	ssyncadd.s32 $0xFFFFFEC0  }
0x1bf: {  	_ =	swait.ge @!p0 [sflag:s0], $0xA000  }
0x1c0: {  	[tilespmem:$0x1FE90] =	vst v54  }
0x1c1: {  	[tilespmem:$0x1FEA0] =	vst v55  }
0x1c2: {  	[tilespmem:$0x1FEB0] =	vst v22  }
0x1c3: {  	[tilespmem:$0x1FEC0] =	vst v56  }
0x1c4: {  	[tilespmem:$0x1FED0] =	vst v57  }
0x1c5: {  	[sflag:s0] =	ssyncset.done @!p0 $0x0;
	[tilespmem:$0x1FEE0] =	vst v60  }
0x1c6: {  	s25 =	simm.s32 $0x0;
	s20 =	simm.s32 $0xE000;
	[tilespmem:$0x1FEF0] =	vst v61;
	[sflag:s0] =	ssyncadd.s32 @!p0 $0xFFFF6000  }
.LBB2_9:
0x1c7: {  	s0 =	sshll.u32 s25, $0x4  }
0x1c8: {  	v2 =	vld [tilespmem:s0+$0x3400]  }
0x1c9: {  	v3 =	vld [tilespmem:s0+$0x3580];
	_ =	sdelay $0x3  }
0x1ca: {  	v27 =	vmul.u32 $0x41, v2  }
0x1cb: {  	v28 =	vmul.u32 $0x41, v3;
	_ =	sdelay $0x1  }
0x1cc: {  	v5 =	vadd.s32 $0x7, v27  }
0x1cd: {  	v25 =	vlaneseq.u32;
	s1 =	sadd.s32 s24, s0;
	v7 =	vadd.s32 $0x7, v28  }
0x1ce: {  	v0 =	vor.u32 s1, v25;
	v9 =	vadd.s32 $0x6, v27  }
0x1cf: {  	v1 =	vmulhi.u32 $0x51EB851F, v0;
	v10 =	vadd.s32 $0x6, v28;
	v4 =	vld.idx.msk [tilespmem:v27+s5+$0x0], $0xffff  }
0x1d0: {  	v16 =	vimm.f32 $0.0e+00;
	v24 =	vadd.s32 $0x11, v25;
	v12 =	vadd.s32 $0x5, v27;
	v6 =	vld.idx.msk [tilespmem:v28+s5+$0x0], $0xffff  }
0x1d1: {  	v20 =	vadd.s32 $0x22, v25;
	v1 =	vshrl.u32 v1, $0x6;
	v14 =	vadd.s32 $0x5, v28;
	v5 =	vld.idx.msk [tilespmem:v5+s5+$0x0], $0xffff  }
0x1d2: {  	v19 =	vadd.s32 $0x33, v25;
	v1 =	vmul.u32 $0xC8, v1;
	v31 =	vadd.s32 $0x4, v27;
	v7 =	vld.idx.msk [tilespmem:v7+s5+$0x0], $0xffff  }
0x1d3: {  	v37 =	vadd.s32 $0x44, v25;
	v18 =	vadd.s32 $0x55, v25;
	v44 =	vadd.s32 $0x3, v27;
	v9 =	vld.idx.msk [tilespmem:v9+s5+$0x0], $0xffff  }
0x1d4: {  	v40 =	vadd.s32 $0x66, v25;
	v0 =	vsub.s32 v0, v1;
	v47 =	vadd.s32 $0x2, v27;
	v10 =	vld.idx.msk [tilespmem:v10+s5+$0x0], $0xffff  }
0x1d5: {  	v36 =	vadd.s32 $0x88, v25;
	v48 =	vadd.s32 $0x2, v28;
	v26 =	vmul.u32 $0x41, v0;
	v12 =	vld.idx.msk [tilespmem:v12+s5+$0x0], $0xffff  }
0x1d6: {  	v42 =	vadd.s32 $0xAA, v25;
	v43 =	vadd.s32 $0xCC, v25;
	v46 =	vadd.s32 $0x1, v27;
	v14 =	vld.idx.msk [tilespmem:v14+s5+$0x0], $0xffff  }
0x1d7: {  	v41 =	vadd.s32 $0xEE, v25;
	v38 =	vadd.s32 $0x4, v28;
	v39 =	vadd.s32 $0x1, v26;
	v31 =	vld.idx.msk [tilespmem:v31+s5+$0x0], $0xffff  }
0x1d8: {  	v45 =	vadd.s32 $0x3, v28;
	v50 =	vadd.s32 $0x1, v28;
	v0 =	vadd.s32 $0x7, v26;
	v44 =	vld.idx.msk [tilespmem:v44+s5+$0x0], $0xffff  }
0x1d9: {  	v53 =	vadd.s32 $0x6, v26;
	v55 =	vadd.s32 $0x5, v26;
	v8 =	vadd.s32 $0x4, v26;
	v47 =	vld.idx.msk [tilespmem:v47+s5+$0x0], $0xffff  }
0x1da: {  	v11 =	vadd.s32 $0x3, v26;
	v29 =	vadd.s32 $0x2, v26;
	v48 =	vld.idx.msk [tilespmem:v48+s5+$0x0], $0xffff;
	v51 =	vunpack.i.u.bf16.f32 v4  }
0x1db: {  	v46 =	vld.idx.msk [tilespmem:v46+s5+$0x0], $0xffff;
	v4 =	vunpack.i.l.bf16.f32 v4;
	v52 =	vunpack.i.u.bf16.f32 v6;
	v6 =	vunpack.i.l.bf16.f32 v6  }
0x1dc: {  	v57 =	vld.idx.msk [tilespmem:v39+s5+$0x0], $0xffff;
	v56 =	vunpack.i.u.bf16.f32 v5;
	v5 =	vunpack.i.l.bf16.f32 v5;
	v39 =	vunpack.i.u.bf16.f32 v7  }
0x1dd: {  	v50 =	vld.idx.msk [tilespmem:v50+s5+$0x0], $0xffff;
	v7 =	vunpack.i.l.bf16.f32 v7;
	v59 =	vunpack.i.u.bf16.f32 v9;
	v9 =	vunpack.i.l.bf16.f32 v9  }
0x1de: {  	v54 =	vld.idx.msk [tilespmem:v26+s5+$0x0], $0xffff;
	v61 =	vunpack.i.u.bf16.f32 v10;
	v10 =	vunpack.i.l.bf16.f32 v10;
	v62 =	vunpack.i.u.bf16.f32 v12  }
0x1df: {  	v0 =	vld.idx.msk [tilespmem:v0+s5+$0x0], $0xffff;
	v12 =	vunpack.i.l.bf16.f32 v12;
	v2 =	vunpack.i.u.bf16.f32 v44;
	v44 =	vunpack.i.l.bf16.f32 v44  }
0x1e0: {  	v1 =	vld.idx.msk [tilespmem:v53+s5+$0x0], $0xffff;
	v4 =	vadd.f32 v6, v4;
	v6 =	vadd.f32 v52, v51;
	v51 =	vunpack.i.u.bf16.f32 v47  }
0x1e1: {  	v3 =	vld.idx.msk [tilespmem:v55+s5+$0x0], $0xffff;
	v47 =	vunpack.i.l.bf16.f32 v47;
	v52 =	vunpack.i.u.bf16.f32 v48;
	v48 =	vunpack.i.l.bf16.f32 v48  }
0x1e2: {  	v8 =	vld.idx.msk [tilespmem:v8+s5+$0x0], $0xffff;
	v5 =	vadd.f32 v7, v5;
	v56 =	vadd.f32 v39, v56;
	v39 =	vunpack.i.u.bf16.f32 v46  }
0x1e3: {  	v11 =	vld.idx.msk [tilespmem:v11+s5+$0x0], $0xffff;
	v9 =	vadd.f32 v10, v9;
	v10 =	vadd.f32 v61, v59;
	v46 =	vunpack.i.l.bf16.f32 v46  }
0x1e4: {  	v29 =	vld.idx.msk [tilespmem:v29+s5+$0x0], $0xffff;
	v59 =	vunpack.i.u.bf16.f32 v50;
	v52 =	vadd.f32 v52, v51;
	v49 =	vunpack.i.u.bf16.f32 v54  }
0x1e5: {  	v38 =	vld.idx.msk [tilespmem:v38+s5+$0x0], $0xffff;
	v35 =	vunpack.i.l.bf16.f32 v54;
	v61 =	vmul.f32 $5.000000000e-01, v4;
	v53 =	vunpack.i.u.bf16.f32 v0  }
0x1e6: {  	v45 =	vld.idx.msk [tilespmem:v45+s5+$0x0], $0xffff;
	v33 =	vunpack.i.l.bf16.f32 v0;
	v54 =	vunpack.i.u.bf16.f32 v3;
	v55 =	vunpack.i.u.bf16.f32 v1  }
0x1e7: {  	v32 =	vunpack.i.l.bf16.f32 v1;
	v34 =	vunpack.i.l.bf16.f32 v3;
	v58 =	vunpack.i.u.bf16.f32 v8  }
0x1e8: {  	v23 =	vmovc v13;
	v30 =	vunpack.i.l.bf16.f32 v8;
	v60 =	vunpack.i.u.bf16.f32 v11;
	v13 =	vunpack.i.l.bf16.f32 v11  }
0x1e9: {  	v63 =	vunpack.i.u.bf16.f32 v29;
	v3 =	vunpack.i.u.bf16.f32 v14;
	v14 =	vunpack.i.l.bf16.f32 v14  }
0x1ea: {  	v11 =	vunpack.i.l.bf16.f32 v29;
	v29 =	vunpack.i.u.bf16.f32 v31;
	v31 =	vunpack.i.l.bf16.f32 v31  }
0x1eb: {  	v1 =	vunpack.i.u.bf16.f32 v38;
	v38 =	vunpack.i.l.bf16.f32 v38;
	v0 =	vunpack.i.u.bf16.f32 v45  }
0x1ec: {  	v45 =	vunpack.i.l.bf16.f32 v45;
	v5 =	vmul.f32 $5.000000000e-01, v5;
	v7 =	vmul.f32 $5.000000000e-01, v56  }
0x1ed: {  	v9 =	vmul.f32 $5.000000000e-01, v9;
	v10 =	vmul.f32 $5.000000000e-01, v10;
	v12 =	vadd.f32 v14, v12  }
0x1ee: {  	v51 =	vunpack.i.u.bf16.f32 v57;
	v3 =	vadd.f32 v3, v62;
	v31 =	vadd.f32 v38, v31  }
0x1ef: {  	v1 =	vadd.f32 v1, v29;
	v29 =	vunpack.i.l.bf16.f32 v50;
	v38 =	vadd.f32 v45, v44  }
0x1f0: {  	v0 =	vadd.f32 v0, v2;
	v62 =	vmul.f32 $5.000000000e-01, v6;
	v50 =	vadd.f32 v48, v47  }
0x1f1: {  	v14 =	vadd.f32 v59, v39;
	v2 =	vadd.f32 v61, v35;
	v47 =	vmul.f32 $5.000000000e-01, v52  }
0x1f2: {  	v56 =	vadd.f32 v29, v46;
	v39 =	vadd.f32 v5, v33;
	v12 =	vmul.f32 $5.000000000e-01, v12  }
0x1f3: {  	v5 =	vadd.f32 v9, v32;
	v3 =	vmul.f32 $5.000000000e-01, v3;
	v59 =	vmul.f32 $5.000000000e-01, v31  }
0x1f4: {  	v1 =	vmul.f32 $5.000000000e-01, v1;
	v29 =	vadd.f32 v62, v49;
	v61 =	vmul.f32 $5.000000000e-01, v38  }
0x1f5: {  	v0 =	vmul.f32 $5.000000000e-01, v0;
	v31 =	vadd.f32 v7, v53;
	v38 =	vadd.f32 v10, v55  }
0x1f6: {  	[tilespmem:v25+s17+$0x0] =	vst.idx.msk $0xffff, v2;
	v6 =	vmul.f32 $5.000000000e-01, v50;
	v52 =	vadd.f32 v47, v63;
	v62 =	vadd.f32 v12, v34  }
0x1f7: {  	v50 =	vmul.f32 $5.000000000e-01, v14;
	[tilespmem:v41+s17+$0x0] =	vst.idx.msk $0xffff, v39;
	v48 =	vadd.f32 v59, v30;
	v41 =	vadd.f32 v3, v54  }
0x1f8: {  	[tilespmem:v43+s17+$0x0] =	vst.idx.msk $0xffff, v5;
	v49 =	vmul.f32 $5.000000000e-01, v56;
	v4 =	vadd.f32 v61, v13;
	v1 =	vadd.f32 v1, v58  }
0x1f9: {  	v35 =	vmul.f32 v5, v5;
	v6 =	vadd.f32 v6, v11;
	v0 =	vadd.f32 v0, v60  }
0x1fa: {  	v53 =	vadd.f32 v2, v29;
	v11 =	vadd.f32 v50, v51;
	v2 =	vmul.f32 v2, v2  }
0x1fb: {  	v8 =	vunpack.i.l.bf16.f32 v57;
	v54 =	vmul.f32 v29, v29;
	v58 =	vmul.f32 v52, v52;
	[tilespmem:v42+s17+$0x0] =	vst.idx.msk $0xffff, v62  }
0x1fc: {  	v17 =	vadd.s32 $0x77, v25;
	v45 =	vmul.f32 v38, v38;
	v3 =	vadd.f32 v49, v8;
	[tilespmem:v36+s17+$0x0] =	vst.idx.msk $0xffff, v48  }
0x1fd: {  	v15 =	vadd.s32 $0x99, v25;
	[tilespmem:v37+s17+$0x0] =	vst.idx.msk $0xffff, v6;
	v43 =	vadd.f32 v62, v41;
	v13 =	vadd.f32 v4, v0  }
0x1fe: {  	v44 =	vadd.f32 v48, v1;
	v30 =	vmul.f32 v11, v11;
	v56 =	vadd.f32 v6, v52  }
0x1ff: {  	v2 =	vadd.f32 v2, v54;
	v6 =	vmul.f32 v6, v6;
	v55 =	vmul.f32 v3, v3  }
0x200: {  	v27 =	vadd.s32 $0x8, v27;
	v9 =	vadd.f32 v53, v16;
	[tilespmem:v20+s17+$0x0] =	vst.idx.msk $0xffff, v3;
	v3 =	vadd.f32 v3, v11  }
0x201: {  	[tilespmem:v40+s17+$0x0] =	vst.idx.msk $0xffff, v4;
	v42 =	vadd.s32 $0xBB, v25;
	v2 =	vadd.f32 v2, v16;
	v57 =	vadd.f32 v55, v30  }
0x202: {  	v4 =	vmul.f32 v4, v4;
	v59 =	vmul.f32 v0, v0;
	v6 =	vadd.f32 v6, v58  }
0x203: {  	v60 =	vmul.f32 v48, v48;
	v3 =	vadd.f32 v3, v9;
	v2 =	vadd.f32 v57, v2  }
0x204: {  	v61 =	vmul.f32 v1, v1;
	v62 =	vmul.f32 v62, v62;
	v4 =	vadd.f32 v4, v59  }
0x205: {  	v28 =	vadd.s32 $0x8, v28;
	[tilespmem:v18+s17+$0x0] =	vst.idx.msk $0xffff, v52;
	v3 =	vadd.f32 v56, v3;
	v2 =	vadd.f32 v6, v2  }
0x206: {  	v37 =	vadd.s32 $0xDD, v25;
	v63 =	vmul.f32 v41, v41;
	[tilespmem:v17+s17+$0x0] =	vst.idx.msk $0xffff, v0;
	v32 =	vadd.f32 v60, v61  }
0x207: {  	v26 =	vadd.s32 $0x8, v26;
	[tilespmem:v15+s17+$0x0] =	vst.idx.msk $0xffff, v1;
	v33 =	vadd.f32 v13, v3;
	v34 =	vadd.f32 v4, v2  }
0x208: {  	s0 =	simm.s32 $0x0;
	v40 =	vadd.f32 v5, v38;
	v36 =	vadd.s32 $0xFF, v25;
	[tilespmem:v19+s17+$0x0] =	vst.idx.msk $0xffff, v11;
	v30 =	vadd.f32 v62, v63  }
.LBB2_10:
0x209: {  	v0 =	vadd.s32 $0x7, v26;
	v1 =	vadd.f32 v44, v33;
	v2 =	vadd.f32 v32, v34;
	[tilespmem:v42+s17+$0x0] =	vst.idx.msk $0xffff, v41  }
0x20a: {  	v4 =	vmul.f32 v39, v39;
	v5 =	vmul.f32 v31, v31;
	v3 =	vadd.f32 v35, v45  }
0x20b: {  	v6 =	vadd.s32 $0x6, v26;
	v1 =	vadd.f32 v43, v1;
	v2 =	vadd.f32 v30, v2;
	[tilespmem:v37+s17+$0x0] =	vst.idx.msk $0xffff, v38  }
0x20c: {  	v8 =	vadd.s32 $0x5, v26;
	v9 =	vadd.f32 v39, v31;
	v4 =	vadd.f32 v4, v5;
	v7 =	vld.idx.msk [tilespmem:v26+s5+$0x0], $0xffff  }
0x20d: {  	v10 =	vadd.s32 $0x7, v27;
	v5 =	vld.idx.msk [tilespmem:v27+s5+$0x0], $0xffff;
	v1 =	vadd.f32 v40, v1;
	v2 =	vadd.f32 v3, v2  }
0x20e: {  	v11 =	vadd.s32 $0x7, v28;
	v25 =	vadd.s32 $0x110, v25;
	v3 =	vld.idx.msk [tilespmem:v28+s5+$0x0], $0xffff;
	[tilespmem:v36+s17+$0x0] =	vst.idx.msk $0xffff, v31  }
0x20f: {  	v12 =	vadd.s32 $0x4, v26;
	v0 =	vld.idx.msk [tilespmem:v0+s5+$0x0], $0xffff;
	v33 =	vadd.f32 v9, v1;
	v34 =	vadd.f32 v4, v2  }
0x210: {  	v1 =	vadd.s32 $0x6, v27;
	v2 =	vld.idx.msk [tilespmem:v6+s5+$0x0], $0xffff;
	[tilespmem:v24+s17+$0x0] =	vst.idx.msk $0xffff, v29;
	v24 =	vadd.s32 $0x11, v25  }
0x211: {  	v37 =	vadd.s32 $0x22, v25;
	v36 =	vadd.s32 $0x33, v25;
	v6 =	vadd.s32 $0x6, v28;
	v4 =	vld.idx.msk [tilespmem:v8+s5+$0x0], $0xffff  }
0x212: {  	v35 =	vadd.s32 $0x55, v25;
	v40 =	vadd.s32 $0x44, v25;
	v8 =	vadd.s32 $0x3, v26;
	v9 =	vld.idx.msk [tilespmem:v10+s5+$0x0], $0xffff  }
0x213: {  	v42 =	vadd.s32 $0x66, v25;
	v32 =	vadd.s32 $0x77, v25;
	v10 =	vadd.s32 $0x5, v27;
	v11 =	vld.idx.msk [tilespmem:v11+s5+$0x0], $0xffff  }
0x214: {  	v13 =	vadd.s32 $0x5, v28;
	v43 =	vadd.s32 $0x88, v25;
	v30 =	vadd.s32 $0x99, v25;
	v12 =	vld.idx.msk [tilespmem:v12+s5+$0x0], $0xffff  }
0x215: {  	v14 =	vadd.s32 $0x2, v26;
	v44 =	vadd.s32 $0xAA, v25;
	v45 =	vadd.s32 $0xCC, v25;
	v1 =	vld.idx.msk [tilespmem:v1+s5+$0x0], $0xffff  }
0x216: {  	v41 =	vadd.s32 $0xEE, v25;
	v31 =	vadd.s32 $0x4, v28;
	v29 =	vadd.s32 $0x4, v27;
	v6 =	vld.idx.msk [tilespmem:v6+s5+$0x0], $0xffff  }
0x217: {  	v39 =	vadd.s32 $0x3, v27;
	v46 =	vadd.s32 $0x3, v28;
	v38 =	vadd.s32 $0x1, v26;
	v8 =	vld.idx.msk [tilespmem:v8+s5+$0x0], $0xffff  }
0x218: {  	v47 =	vadd.s32 $0x1, v27;
	v48 =	vadd.s32 $0x2, v27;
	v49 =	vadd.s32 $0x2, v28;
	v10 =	vld.idx.msk [tilespmem:v10+s5+$0x0], $0xffff  }
0x219: {  	v51 =	vadd.s32 $0x1, v28;
	v50 =	vunpack.i.u.bf16.f32 v7;
	v7 =	vunpack.i.l.bf16.f32 v7;
	v13 =	vld.idx.msk [tilespmem:v13+s5+$0x0], $0xffff  }
0x21a: {  	v52 =	vunpack.i.u.bf16.f32 v5;
	v5 =	vunpack.i.l.bf16.f32 v5;
	v53 =	vunpack.i.u.bf16.f32 v3;
	v14 =	vld.idx.msk [tilespmem:v14+s5+$0x0], $0xffff  }
0x21b: {  	v3 =	vunpack.i.l.bf16.f32 v3;
	v54 =	vunpack.i.u.bf16.f32 v0;
	v0 =	vunpack.i.l.bf16.f32 v0;
	v29 =	vld.idx.msk [tilespmem:v29+s5+$0x0], $0xffff  }
0x21c: {  	v56 =	vunpack.i.u.bf16.f32 v2;
	v2 =	vunpack.i.l.bf16.f32 v2;
	v55 =	vunpack.i.u.bf16.f32 v4;
	v31 =	vld.idx.msk [tilespmem:v31+s5+$0x0], $0xffff  }
0x21d: {  	v4 =	vunpack.i.l.bf16.f32 v4;
	v57 =	vld.idx.msk [tilespmem:v38+s5+$0x0], $0xffff;
	v38 =	vunpack.i.u.bf16.f32 v9;
	v9 =	vunpack.i.l.bf16.f32 v9  }
0x21e: {  	v59 =	vunpack.i.u.bf16.f32 v11;
	v11 =	vunpack.i.l.bf16.f32 v11;
	v58 =	vunpack.i.u.bf16.f32 v12;
	v39 =	vld.idx.msk [tilespmem:v39+s5+$0x0], $0xffff  }
0x21f: {  	v12 =	vunpack.i.l.bf16.f32 v12;
	v60 =	vunpack.i.u.bf16.f32 v1;
	v1 =	vunpack.i.l.bf16.f32 v1;
	v46 =	vld.idx.msk [tilespmem:v46+s5+$0x0], $0xffff  }
0x220: {  	v62 =	vunpack.i.u.bf16.f32 v6;
	v6 =	vunpack.i.l.bf16.f32 v6;
	v61 =	vunpack.i.u.bf16.f32 v8;
	v48 =	vld.idx.msk [tilespmem:v48+s5+$0x0], $0xffff  }
0x221: {  	v8 =	vunpack.i.l.bf16.f32 v8;
	v63 =	vunpack.i.u.bf16.f32 v10;
	v10 =	vunpack.i.l.bf16.f32 v10;
	v49 =	vld.idx.msk [tilespmem:v49+s5+$0x0], $0xffff  }
0x222: {  	v16 =	vunpack.i.u.bf16.f32 v13;
	v13 =	vunpack.i.l.bf16.f32 v13;
	v15 =	vunpack.i.u.bf16.f32 v14  }
0x223: {  	v14 =	vunpack.i.l.bf16.f32 v14;
	v17 =	vunpack.i.u.bf16.f32 v29;
	v29 =	vunpack.i.l.bf16.f32 v29;
	v47 =	vld.idx.msk [tilespmem:v47+s5+$0x0], $0xffff  }
0x224: {  	v19 =	vunpack.i.u.bf16.f32 v31;
	v31 =	vunpack.i.l.bf16.f32 v31;
	v18 =	vunpack.i.l.bf16.f32 v57  }
0x225: {  	v20 =	vunpack.i.u.bf16.f32 v39;
	v39 =	vunpack.i.l.bf16.f32 v39;
	v21 =	vunpack.i.u.bf16.f32 v46;
	v51 =	vld.idx.msk [tilespmem:v51+s5+$0x0], $0xffff  }
0x226: {  	v3 =	vadd.f32 v3, v5;
	v5 =	vadd.f32 v53, v52;
	v46 =	vunpack.i.l.bf16.f32 v46  }
0x227: {  	v52 =	vunpack.i.u.bf16.f32 v48;
	v48 =	vunpack.i.l.bf16.f32 v48;
	v53 =	vunpack.i.u.bf16.f32 v49  }
0x228: {  	v9 =	vadd.f32 v11, v9;
	v11 =	vadd.f32 v59, v38;
	v49 =	vunpack.i.l.bf16.f32 v49  }
0x229: {  	v1 =	vadd.f32 v6, v1;
	v6 =	vadd.f32 v62, v60;
	v38 =	vunpack.i.u.bf16.f32 v47  }
0x22a: {  	v10 =	vadd.f32 v13, v10;
	v13 =	vadd.f32 v16, v63;
	v47 =	vunpack.i.l.bf16.f32 v47  }
0x22b: {  	s0 =	sadd.s32 $0x8, s0;
	v29 =	vadd.f32 v31, v29;
	v17 =	vadd.f32 v19, v17;
	v16 =	vunpack.i.u.bf16.f32 v51  }
0x22c: {  	p0 =	slt.u32 s0, $0x38;
	v31 =	vadd.f32 v46, v39;
	v20 =	vadd.f32 v21, v20;
	v19 =	vunpack.i.l.bf16.f32 v51  }
0x22d: {  	v3 =	vmul.f32 $5.000000000e-01, v3;
	v5 =	vmul.f32 $5.000000000e-01, v5;
	v21 =	vadd.f32 v49, v48  }
0x22e: {  	v9 =	vmul.f32 $5.000000000e-01, v9;
	v11 =	vmul.f32 $5.000000000e-01, v11;
	v46 =	vadd.f32 v53, v52  }
0x22f: {  	v1 =	vmul.f32 $5.000000000e-01, v1;
	v6 =	vmul.f32 $5.000000000e-01, v6;
	v19 =	vadd.f32 v19, v47  }
0x230: {  	v10 =	vmul.f32 $5.000000000e-01, v10;
	v13 =	vmul.f32 $5.000000000e-01, v13;
	v16 =	vadd.f32 v16, v38  }
0x231: {  	v3 =	vadd.f32 v3, v7;
	v7 =	vmul.f32 $5.000000000e-01, v29;
	v17 =	vmul.f32 $5.000000000e-01, v17  }
0x232: {  	v29 =	vadd.f32 v5, v50;
	v39 =	vadd.f32 v9, v0;
	v5 =	vmul.f32 $5.000000000e-01, v31  }
0x233: {  	v1 =	vadd.f32 v1, v2;
	v0 =	vmul.f32 $5.000000000e-01, v20;
	v31 =	vadd.f32 v11, v54;
	[tilespmem:v25+s17+$0x0] =	vst.idx.msk $0xffff, v3  }
0x234: {  	v4 =	vadd.f32 v10, v4;
	v2 =	vmul.f32 $5.000000000e-01, v21;
	v38 =	vadd.f32 v6, v56;
	[tilespmem:v41+s17+$0x0] =	vst.idx.msk $0xffff, v39  }
0x235: {  	v7 =	vadd.f32 v7, v12;
	v6 =	vmul.f32 $5.000000000e-01, v46;
	v41 =	vadd.f32 v13, v55;
	[tilespmem:v45+s17+$0x0] =	vst.idx.msk $0xffff, v1  }
0x236: {  	v5 =	vadd.f32 v5, v8;
	v8 =	vadd.f32 v17, v58;
	v9 =	vmul.f32 $5.000000000e-01, v19;
	[tilespmem:v44+s17+$0x0] =	vst.idx.msk $0xffff, v4  }
0x237: {  	v0 =	vadd.f32 v0, v61;
	v2 =	vadd.f32 v2, v14;
	v10 =	vmul.f32 $5.000000000e-01, v16;
	[tilespmem:v43+s17+$0x0] =	vst.idx.msk $0xffff, v7  }
0x238: {  	v11 =	vunpack.i.u.bf16.f32 v57;
	v6 =	vadd.f32 v6, v15;
	v9 =	vadd.f32 v9, v18;
	[tilespmem:v42+s17+$0x0] =	vst.idx.msk $0xffff, v5  }
0x239: {  	v12 =	vadd.f32 v3, v29;
	v10 =	vadd.f32 v10, v11;
	v42 =	vadd.s32 $0xBB, v25;
	[tilespmem:v40+s17+$0x0] =	vst.idx.msk $0xffff, v2  }
0x23a: {  	v3 =	vmul.f32 v3, v3;
	v43 =	vadd.f32 v4, v41;
	v40 =	vadd.f32 v1, v38  }
0x23b: {  	v11 =	vmul.f32 v29, v29;
	v13 =	vadd.f32 v5, v0;
	v44 =	vadd.f32 v7, v8  }
0x23c: {  	v16 =	vadd.f32 v2, v6;
	v14 =	vmul.f32 v9, v9;
	v15 =	vmul.f32 v10, v10  }
0x23d: {  	v3 =	vadd.f32 v3, v11;
	[tilespmem:v37+s17+$0x0] =	vst.idx.msk $0xffff, v9;
	v9 =	vadd.f32 v9, v10;
	v37 =	vadd.s32 $0xDD, v25  }
0x23e: {  	v11 =	vadd.f32 v14, v15;
	v14 =	vmul.f32 v6, v6;
	v2 =	vmul.f32 v2, v2  }
0x23f: {  	v12 =	vadd.f32 v12, v33;
	v3 =	vadd.f32 v3, v34;
	[tilespmem:v36+s17+$0x0] =	vst.idx.msk $0xffff, v10;
	v36 =	vadd.s32 $0xFF, v25  }
0x240: {  	v5 =	vmul.f32 v5, v5;
	v2 =	vadd.f32 v2, v14;
	v10 =	vmul.f32 v0, v0  }
0x241: {  	v26 =	vadd.s32 $0x8, v26;
	v3 =	vadd.f32 v11, v3;
	v9 =	vadd.f32 v9, v12;
	[tilespmem:v35+s17+$0x0] =	vst.idx.msk $0xffff, v6  }
.Ltmp3:
0x242: {  	v5 =	vadd.f32 v5, v10;
	v6 =	vmul.f32 v7, v7;
	v7 =	vmul.f32 v8, v8;
	(pc) =	sbr.rel @p0 .LBB2_10-.Ltmp3, $4  }
0x243: {  	v27 =	vadd.s32 $0x8, v27;
	v2 =	vadd.f32 v2, v3;
	v9 =	vadd.f32 v16, v9;
	[tilespmem:v32+s17+$0x0] =	vst.idx.msk $0xffff, v0  }
0x244: {  	v3 =	vmul.f32 v41, v41;
	v32 =	vadd.f32 v6, v7;
	v0 =	vmul.f32 v4, v4  }
0x245: {  	v28 =	vadd.s32 $0x8, v28;
	v33 =	vadd.f32 v13, v9;
	v34 =	vadd.f32 v5, v2;
	[tilespmem:v30+s17+$0x0] =	vst.idx.msk $0xffff, v8  }
0x246: {  	v45 =	vmul.f32 v38, v38;
	v35 =	vmul.f32 v1, v1;
	v30 =	vadd.f32 v0, v3  }
0x247: {  	v0 =	vadd.f32 v44, v33;
	_ =	sdelay $0x1  }
0x248: {  	v1 =	vadd.f32 v32, v34;
	v3 =	vmul.f32 v39, v39;
	v0 =	vadd.f32 v43, v0  }
0x249: {  	v4 =	vmul.f32 v31, v31;
	v5 =	vadd.f32 v39, v31;
	v2 =	vadd.f32 v35, v45  }
0x24a: {  	v1 =	vadd.f32 v30, v1;
	v0 =	vadd.f32 v40, v0  }
0x24b: {  	v3 =	vadd.f32 v3, v4  }
0x24c: {  	v1 =	vadd.f32 v2, v1;
	v0 =	vadd.f32 v5, v0;
	_ =	sdelay $0x1  }
0x24d: {  	v1 =	vadd.f32 v3, v1;
	v49 =	vmul.f32 $7.812500000e-03, v0;
	_ =	sdelay $0x1  }
0x24e: {  	v57 =	vmul.f32 $7.812500000e-03, v1;
	v58 =	vmul.f32 v49, v49;
	_ =	sdelay $0x1  }
0x24f: {  	v0 =	vsub.f32 v57, v58;
	_ =	sdelay $0x1  }
0x250: {  	v0 =	vadd.f32 $9.999999960e-13, v0;
	_ =	sdelay $0x1  }
0x251: {  	v59 =	vshra.s32 v0, $0x1;
	v0 =	vmul.f32 $5.000000000e-01, v0  }
0x252: {  	v1 =	vsub.s32 $0x5F3759DF, v59  }
0x253: {  	v60 =	vmul.f32 v1, v0;
	_ =	sdelay $0x1  }
0x254: {  	v2 =	vmul.f32 v1, v60;
	_ =	sdelay $0x1  }
0x255: {  	v2 =	vsub.f32 $1.500000000e+00, v2;
	_ =	sdelay $0x1  }
0x256: {  	v1 =	vmul.f32 v1, v2;
	_ =	sdelay $0x1  }
0x257: {  	v2 =	vmul.f32 v1, v0  }
0x258: {  	v60 =	vld [tilespmem:$0x1FFF0]  }
0x259: {  	v2 =	vmul.f32 v2, v1;
	_ =	sdelay $0x1  }
0x25a: {  	v2 =	vsub.f32 $1.500000000e+00, v2  }
0x25b: {  	s7 =	simm.s32 $0x0  }
0x25c: {  	v61 =	vadd.s32 s7, v60;
	v1 =	vmul.f32 v2, v1  }
0x25d: {  	[tilespmem:v42+s17+$0x0] =	vst.idx.msk $0xffff, v41  }
0x25e: {  	s26 =	simm.s32 $0x1;
	[tilespmem:v37+s17+$0x0] =	vst.idx.msk $0xffff, v38;
	v0 =	vmul.f32 v1, v0  }
0x25f: {  	[tilespmem:v36+s17+$0x0] =	vst.idx.msk $0xffff, v31;
	v62 =	vadd.s32 s26, v60  }
0x260: {  	[tilespmem:v24+s17+$0x0] =	vst.idx.msk $0xffff, v29;
	v0 =	vmul.f32 v0, v1  }
0x261: {  	v2 =	vld.idx.msk [tilespmem:v61+s17+$0x0], $0xffff  }
0x262: {  	v0 =	vsub.f32 $1.500000000e+00, v0  }
0x263: {  	v63 =	vmov s7;
	v21 =	vld [tilespmem:$0x1FE90]  }
0x264: {  	v32 =	vperm.xlane v49, v63;
	v5 =	vld.idx.msk [tilespmem:v62+s17+$0x0], $0xffff;
	v42 =	vmul.f32 v0, v1  }
0x265: {  	v17 =	vld [tilespmem:$0x1FF00]  }
0x266: {  	v6 =	vmov s26;
	v2 =	vsub.f32 v2, v32;
	v37 =	vperm.xlane v42, v63  }
0x267: {  	v31 =	vperm.xlane v49, v6  }
0x268: {  	v2 =	vmul.f32 v2, v37  }
0x269: {  	v0 =	vsub.f32 v5, v31;
	v36 =	vperm.xlane v42, v6  }
0x26a: {  	v7 =	vadd.s32 s7, v21;
	v2 =	vmul.f32 v2, v17  }
0x26b: {  	s29 =	simm.s32 $0x2;
	v0 =	vmul.f32 v0, v36  }
0x26c: {  	v9 =	vadd.s32 s29, v60;
	v2 =	vadd.f32 v2, v23  }
0x26d: {  	v8 =	vadd.s32 s26, v21;
	v0 =	vmul.f32 v0, v17  }
0x26e: {  	[tilespmem:s20+$0xFFFFFF80] =	vst v2  }
0x26f: {  	v0 =	vadd.f32 v0, v23;
	v1 =	vld.idx.msk [tilespmem:v7+s17+$0x0], $0xffff;
	_ =	sdelay $0x1  }
0x270: {  	[tilespmem:s20+$0x0] =	vst v0;
	v2 =	vld.idx.msk [tilespmem:v9+s17+$0x0], $0xffff  }
0x271: {  	v0 =	vld.idx.msk [tilespmem:v8+s17+$0x0], $0xffff  }
0x272: {  	s30 =	simm.s32 $0x3;
	v22 =	vld [tilespmem:$0x1FF10]  }
0x273: {  	v10 =	vadd.s32 s30, v60;
	v44 =	vld [tilespmem:$0x1FEA0];
	v1 =	vsub.f32 v1, v32  }
0x274: {  	v15 =	vld [tilespmem:$0x1FF80]  }
0x275: {  	v1 =	vmul.f32 v1, v37  }
0x276: {  	v13 =	vmov s29;
	v0 =	vsub.f32 v0, v31  }
0x277: {  	v27 =	vperm.xlane v49, v13;
	v1 =	vmul.f32 v1, v22  }
0x278: {  	v3 =	vld.idx.msk [tilespmem:v10+s17+$0x0], $0xffff;
	v11 =	vadd.s32 s7, v44;
	v0 =	vmul.f32 v0, v36  }
0x279: {  	v26 =	vperm.xlane v42, v13;
	v14 =	vsub.f32 v2, v27;
	v1 =	vadd.f32 v1, v15  }
0x27a: {  	v6 =	vmov s30;
	v12 =	vadd.s32 s26, v44;
	v0 =	vmul.f32 v0, v22  }
0x27b: {  	v24 =	vperm.xlane v49, v6;
	[tilespmem:s20+$0xFFFFFF90] =	vst v1;
	v1 =	vmul.f32 v14, v26  }
0x27c: {  	v0 =	vadd.f32 v0, v15  }
0x27d: {  	v25 =	vperm.xlane v42, v6;
	v33 =	vsub.f32 v3, v24;
	v4 =	vld.idx.msk [tilespmem:v11+s17+$0x0], $0xffff;
	v1 =	vmul.f32 v1, v17  }
0x27e: {  	v35 =	vadd.s32 s29, v21;
	[tilespmem:s20+$0x10] =	vst v0  }
0x27f: {  	v2 =	vmul.f32 v33, v25;
	v0 =	vld.idx.msk [tilespmem:v12+s17+$0x0], $0xffff;
	v1 =	vadd.f32 v1, v23  }
0x280: {  	s28 =	sadd.s32 $0x100, s20;
	v40 =	vld [tilespmem:$0x1FEB0]  }
0x281: {  	v38 =	vadd.s32 s30, v21;
	v2 =	vmul.f32 v2, v17;
	v20 =	vld [tilespmem:$0x1FF20];
	[tilespmem:s28+$0xFFFFFF80] =	vst v1  }
0x282: {  	v34 =	vsub.f32 v4, v32;
	v16 =	vld [tilespmem:$0x1FF90]  }
0x283: {  	v2 =	vadd.f32 v2, v23;
	v47 =	vld.idx.msk [tilespmem:v35+s17+$0x0], $0xffff  }
0x284: {  	v0 =	vsub.f32 v0, v31;
	v3 =	vmul.f32 v34, v37  }
0x285: {  	s2 =	simm.s32 $0x4;
	[tilespmem:s28+$0x0] =	vst v2  }
0x286: {  	v52 =	vadd.s32 s2, v60;
	v0 =	vmul.f32 v0, v36;
	v48 =	vld.idx.msk [tilespmem:v38+s17+$0x0], $0xffff;
	v3 =	vmul.f32 v3, v20  }
0x287: {  	v43 =	vadd.s32 s7, v40;
	v46 =	vadd.s32 s26, v40  }
0x288: {  	s31 =	simm.s32 $0x5;
	v0 =	vmul.f32 v0, v20;
	v45 =	vadd.f32 v3, v16;
	v3 =	vsub.f32 v47, v27  }
0x289: {  	v7 =	vadd.s32 s31, v60  }
0x28a: {  	v0 =	vadd.f32 v0, v16;
	v3 =	vmul.f32 v3, v26  }
0x28b: {  	v6 =	vld.idx.msk [tilespmem:v52+s17+$0x0], $0xffff;
	v4 =	vsub.f32 v48, v24;
	[tilespmem:s20+$0xFFFFFFA0] =	vst v45  }
0x28c: {  	[tilespmem:s20+$0x20] =	vst v0;
	v1 =	vld.idx.msk [tilespmem:v43+s17+$0x0], $0xffff;
	v3 =	vmul.f32 v3, v22  }
0x28d: {  	v54 =	vadd.s32 s29, v44;
	v2 =	vld.idx.msk [tilespmem:v46+s17+$0x0], $0xffff;
	v4 =	vmul.f32 v4, v25  }
0x28e: {  	v50 =	vld.idx.msk [tilespmem:v7+s17+$0x0], $0xffff;
	v3 =	vadd.f32 v3, v15  }
0x28f: {  	v55 =	vadd.s32 s30, v44;
	v47 =	vld [tilespmem:$0x1FF30];
	v4 =	vmul.f32 v4, v22  }
0x290: {  	v51 =	vmov s31;
	v9 =	vmov s2;
	v45 =	vld [tilespmem:$0x1FEC0];
	[tilespmem:s28+$0xFFFFFF90] =	vst v3  }
0x291: {  	s1 =	simm.s32 $0x7;
	v35 =	vperm.xlane v49, v9;
	v4 =	vadd.f32 v4, v15;
	v1 =	vsub.f32 v1, v32;
	v18 =	vld [tilespmem:$0x1FFA0]  }
0x292: {  	v28 =	vperm.xlane v49, v51;
	v57 =	vadd.s32 s1, v60;
	v2 =	vsub.f32 v2, v31;
	v5 =	vld.idx.msk [tilespmem:v54+s17+$0x0], $0xffff  }
0x293: {  	v30 =	vperm.xlane v42, v9;
	v6 =	vsub.f32 v6, v35;
	[tilespmem:s28+$0x10] =	vst v4;
	v1 =	vmul.f32 v1, v37  }
0x294: {  	v29 =	vperm.xlane v42, v51;
	v53 =	vsub.f32 v50, v28;
	v2 =	vmul.f32 v2, v36;
	v4 =	vld.idx.msk [tilespmem:v55+s17+$0x0], $0xffff  }
0x295: {  	v6 =	vmul.f32 v6, v30;
	v8 =	vadd.s32 s7, v45;
	v1 =	vmul.f32 v1, v47  }
0x296: {  	v0 =	vmul.f32 v53, v29;
	v56 =	vadd.s32 s26, v45;
	v2 =	vmul.f32 v2, v47  }
0x297: {  	v59 =	vadd.s32 s31, v21;
	v1 =	vadd.f32 v1, v18;
	v5 =	vsub.f32 v5, v27  }
0x298: {  	v6 =	vmul.f32 v6, v17;
	v0 =	vmul.f32 v0, v17;
	v2 =	vadd.f32 v2, v18  }
0x299: {  	v10 =	vadd.s32 s2, v21;
	v4 =	vsub.f32 v4, v24;
	[tilespmem:s20+$0xFFFFFFB0] =	vst v1;
	v1 =	vld.idx.msk [tilespmem:v57+s17+$0x0], $0xffff;
	v5 =	vmul.f32 v5, v26  }
0x29a: {  	v0 =	vadd.f32 v0, v23;
	[tilespmem:s20+$0x30] =	vst v2;
	v58 =	vld.idx.msk [tilespmem:v8+s17+$0x0], $0xffff  }
0x29b: {  	s0 =	sadd.s32 $0x100, s28;
	v63 =	vadd.f32 v6, v23;
	v3 =	vld.idx.msk [tilespmem:v56+s17+$0x0], $0xffff;
	v4 =	vmul.f32 v4, v25;
	v5 =	vmul.f32 v5, v20  }
0x29c: {  	v12 =	vadd.s32 s29, v40;
	v46 =	vld [tilespmem:$0x1FED0];
	[tilespmem:s0+$0x0] =	vst v0  }
0x29d: {  	v11 =	vadd.s32 s30, v40;
	[tilespmem:s0+$0xFFFFFF80] =	vst v63;
	v14 =	vld.idx.msk [tilespmem:v59+s17+$0x0], $0xffff;
	v4 =	vmul.f32 v4, v20;
	v38 =	vadd.f32 v5, v16  }
0x29e: {  	v61 =	vmov s1;
	v41 =	vld.idx.msk [tilespmem:v10+s17+$0x0], $0xffff  }
0x29f: {  	v33 =	vperm.xlane v49, v61;
	v48 =	vld [tilespmem:$0x1FF40];
	v4 =	vadd.f32 v4, v16;
	[tilespmem:s28+$0xFFFFFFA0] =	vst v38  }
0x2a0: {  	v19 =	vmov v23;
	v23 =	vld [tilespmem:$0x1FFB0]  }
0x2a1: {  	s13 =	simm.s32 $0x6;
	v34 =	vperm.xlane v42, v61;
	v57 =	vadd.s32 s2, v44;
	v1 =	vsub.f32 v1, v33;
	v51 =	vld.idx.msk [tilespmem:v12+s17+$0x0], $0xffff;
	[tilespmem:s28+$0x20] =	vst v4  }
0x2a2: {  	v56 =	vadd.s32 s13, v60;
	v7 =	vsub.f32 v58, v32;
	v3 =	vsub.f32 v3, v31;
	v53 =	vld.idx.msk [tilespmem:v11+s17+$0x0], $0xffff  }
0x2a3: {  	v62 =	vadd.s32 s7, v46;
	v1 =	vmul.f32 v1, v34;
	v5 =	vsub.f32 v41, v35  }
0x2a4: {  	v52 =	vadd.s32 s26, v46;
	v13 =	vmul.f32 v7, v37;
	v3 =	vmul.f32 v3, v36  }
0x2a5: {  	v54 =	vsub.f32 v14, v28;
	v1 =	vmul.f32 v1, v17;
	v5 =	vmul.f32 v5, v30  }
0x2a6: {  	v39 =	vmul.f32 v13, v48;
	v50 =	vmul.f32 v3, v48;
	v3 =	vsub.f32 v51, v27  }
0x2a7: {  	v0 =	vmul.f32 v54, v29;
	v1 =	vadd.f32 v1, v19;
	v6 =	vsub.f32 v53, v24  }
0x2a8: {  	s3 =	sadd.s32 $0x100, s0;
	v5 =	vmul.f32 v5, v22;
	v43 =	vadd.f32 v39, v23;
	v3 =	vmul.f32 v3, v26  }
0x2a9: {  	v0 =	vmul.f32 v0, v22;
	v2 =	vadd.f32 v50, v23;
	[tilespmem:s3+$0x0] =	vst v1;
	v6 =	vmul.f32 v6, v25  }
0x2aa: {  	v58 =	vadd.s32 s31, v44;
	v8 =	vld.idx.msk [tilespmem:v56+s17+$0x0], $0xffff;
	v5 =	vadd.f32 v5, v15;
	[tilespmem:s20+$0xFFFFFFC0] =	vst v43;
	v3 =	vmul.f32 v3, v47  }
0x2ab: {  	v0 =	vadd.f32 v0, v15;
	[tilespmem:s20+$0x40] =	vst v2;
	v55 =	vld.idx.msk [tilespmem:v62+s17+$0x0], $0xffff;
	v6 =	vmul.f32 v6, v47  }
0x2ac: {  	v63 =	vadd.s32 s29, v45;
	v4 =	vld.idx.msk [tilespmem:v52+s17+$0x0], $0xffff;
	[tilespmem:s0+$0xFFFFFF90] =	vst v5;
	v3 =	vadd.f32 v3, v18  }
0x2ad: {  	[tilespmem:s0+$0x10] =	vst v0;
	v9 =	vld.idx.msk [tilespmem:v57+s17+$0x0], $0xffff;
	v59 =	vadd.f32 v6, v18  }
0x2ae: {  	v13 =	vld [tilespmem:$0x1FEE0];
	[tilespmem:s28+$0xFFFFFFB0] =	vst v3  }
0x2af: {  	v10 =	vld.idx.msk [tilespmem:v58+s17+$0x0], $0xffff;
	[tilespmem:s28+$0x30] =	vst v59  }
0x2b0: {  	s14 =	simm.s32 $0x9;
	v14 =	vld [tilespmem:$0x1FF50]  }
0x2b1: {  	v50 =	vadd.s32 s14, v60;
	v43 =	vmov s13;
	v4 =	vsub.f32 v4, v31;
	v54 =	vld.idx.msk [tilespmem:v63+s17+$0x0], $0xffff  }
0x2b2: {  	v51 =	vadd.s32 s1, v21;
	v38 =	vperm.xlane v49, v43;
	v58 =	vld [tilespmem:$0x1FFC0]  }
0x2b3: {  	v2 =	vadd.s32 s30, v45;
	v7 =	vsub.f32 v55, v32;
	v4 =	vmul.f32 v4, v36  }
0x2b4: {  	v39 =	vperm.xlane v42, v43;
	v53 =	vsub.f32 v8, v38;
	v9 =	vsub.f32 v9, v35  }
0x2b5: {  	v61 =	vmul.f32 v7, v37;
	v55 =	vmul.f32 v4, v14  }
0x2b6: {  	v5 =	vld.idx.msk [tilespmem:v50+s17+$0x0], $0xffff;
	v3 =	vmul.f32 v53, v39;
	v10 =	vsub.f32 v10, v28;
	v63 =	vmul.f32 v9, v30  }
0x2b7: {  	v12 =	vld.idx.msk [tilespmem:v51+s17+$0x0], $0xffff;
	v50 =	vsub.f32 v54, v27;
	v6 =	vmul.f32 v61, v14;
	v0 =	vadd.f32 v55, v58  }
0x2b8: {  	v52 =	vadd.s32 s26, v13;
	v2 =	vld.idx.msk [tilespmem:v2+s17+$0x0], $0xffff;
	v3 =	vmul.f32 v3, v17;
	v51 =	vmul.f32 v10, v29  }
0x2b9: {  	v4 =	vmul.f32 v50, v26;
	v6 =	vadd.f32 v6, v58;
	[tilespmem:s20+$0x50] =	vst v0;
	v0 =	vmul.f32 v63, v20  }
0x2ba: {  	v56 =	vmov s14;
	v3 =	vadd.f32 v3, v19;
	v53 =	vmul.f32 v51, v20;
	[tilespmem:$0x1FE80] =	vst v49  }
0x2bb: {  	v41 =	vperm.xlane v42, v56;
	v4 =	vmul.f32 v4, v48;
	[tilespmem:s20+$0xFFFFFFD0] =	vst v6;
	v0 =	vadd.f32 v0, v16  }
0x2bc: {  	v43 =	vperm.xlane v49, v56;
	v62 =	vadd.s32 s7, v13;
	[tilespmem:s3+$0xFFFFFF80] =	vst v3;
	v3 =	vadd.f32 v53, v16  }
0x2bd: {  	v59 =	vadd.s32 s2, v40;
	v1 =	vld.idx.msk [tilespmem:v52+s17+$0x0], $0xffff;
	v52 =	vadd.s32 s31, v40;
	v40 =	vadd.f32 v4, v23;
	[tilespmem:s0+$0xFFFFFFA0] =	vst v0  }
0x2be: {  	v57 =	vadd.s32 s13, v21;
	v5 =	vsub.f32 v5, v43;
	v2 =	vsub.f32 v2, v24;
	[tilespmem:s0+$0x20] =	vst v3  }
0x2bf: {  	[tilespmem:s28+$0xFFFFFFC0] =	vst v40  }
0x2c0: {  	v11 =	vadd.s32 s29, v46;
	v5 =	vmul.f32 v5, v41;
	v2 =	vmul.f32 v2, v25;
	v63 =	vld [tilespmem:$0x1FEF0];
	_ =	sdelay $0x1  }
0x2c1: {  	v2 =	vmul.f32 v2, v48;
	v48 =	vmul.f32 v5, v17;
	v6 =	vld.idx.msk [tilespmem:v62+s17+$0x0], $0xffff  }
0x2c2: {  	v54 =	vld.idx.msk [tilespmem:v57+s17+$0x0], $0xffff  }
0x2c3: {  	v4 =	vadd.f32 v48, v19;
	v50 =	vld.idx.msk [tilespmem:v59+s17+$0x0], $0xffff  }
0x2c4: {  	v59 =	vld.idx.msk [tilespmem:v11+s17+$0x0], $0xffff;
	v11 =	vadd.s32 s7, v63;
	s7 =	sadd.s32 $0x100, s3  }
0x2c5: {  	v2 =	vadd.f32 v2, v23;
	[tilespmem:s7+$0x0] =	vst v4  }
0x2c6: {  	v55 =	vsub.f32 v12, v33;
	v12 =	vadd.s32 s26, v63;
	v63 =	vld [tilespmem:$0x1FF60]  }
0x2c7: {  	v1 =	vsub.f32 v1, v31;
	v57 =	vld.idx.msk [tilespmem:v52+s17+$0x0], $0xffff;
	[tilespmem:s28+$0x40] =	vst v2  }
0x2c8: {  	v49 =	vadd.s32 s14, v21;
	v62 =	vmov v21;
	v56 =	vsub.f32 v6, v32;
	v21 =	vld [tilespmem:$0x1FFD0]  }
0x2c9: {  	s11 =	simm.s32 $0x8;
	v58 =	vadd.s32 s30, v46;
	v8 =	vsub.f32 v54, v38;
	v1 =	vmul.f32 v1, v36  }
0x2ca: {  	v13 =	vadd.s32 s11, v60;
	v9 =	vmul.f32 v55, v34;
	v3 =	vmul.f32 v56, v37  }
0x2cb: {  	v8 =	vmul.f32 v8, v39;
	v1 =	vmul.f32 v1, v63  }
0x2cc: {  	v9 =	vmul.f32 v9, v22;
	v14 =	vsub.f32 v50, v35;
	v3 =	vmul.f32 v3, v63  }
0x2cd: {  	v5 =	vld.idx.msk [tilespmem:v49+s17+$0x0], $0xffff;
	v8 =	vmul.f32 v8, v22;
	v6 =	vsub.f32 v57, v28;
	v1 =	vadd.f32 v1, v21  }
0x2ce: {  	v56 =	vadd.f32 v9, v15;
	v2 =	vmul.f32 v14, v30;
	v0 =	vld.idx.msk [tilespmem:v58+s17+$0x0], $0xffff;
	v3 =	vadd.f32 v3, v21  }
0x2cf: {  	v57 =	vld.idx.msk [tilespmem:v13+s17+$0x0], $0xffff;
	v15 =	vadd.f32 v8, v15;
	v61 =	vmul.f32 v6, v29;
	[tilespmem:s20+$0x60] =	vst v1  }
0x2d0: {  	v46 =	vadd.s32 s31, v45;
	v7 =	vsub.f32 v59, v27;
	v50 =	vadd.s32 s2, v45;
	[tilespmem:s20+$0xFFFFFFE0] =	vst v3;
	v45 =	vld.idx.msk [tilespmem:v12+s17+$0x0], $0xffff  }
0x2d1: {  	v53 =	vadd.s32 s13, v44;
	v52 =	vmul.f32 v2, v47;
	[tilespmem:s3+$0xFFFFFF90] =	vst v15;
	v54 =	vmul.f32 v61, v47;
	v47 =	vld.idx.msk [tilespmem:v11+s17+$0x0], $0xffff  }
0x2d2: {  	v55 =	vadd.s32 s1, v44;
	v48 =	vmul.f32 v7, v26;
	v22 =	vld [tilespmem:$0x1FF70]  }
0x2d3: {  	s22 =	simm.s32 $0xA;
	v20 =	vmovc v17;
	v40 =	vmovc v44;
	s26 =	smov.u32 s20;
	s21 =	smov.u32 s7;
	v58 =	vmov s11;
	v49 =	vsub.f32 v5, v43;
	v51 =	vsub.f32 v0, v24;
	v59 =	vld [tilespmem:$0x1FFE0]  }
.LBB2_12:
0x2d4: {  	v61 =	vld [tilespmem:$0x1FE80]  }
0x2d5: {  	v10 =	vld [tilespmem:$0x1FEE0]  }
0x2d6: {  	s18 =	sadd.s32 $0x1, s22;
	v1 =	vld.idx.msk [tilespmem:v53+s17+$0x0], $0xffff  }
0x2d7: {  	v44 =	vmov v41;
	v11 =	vperm.xlane v42, v58;
	v15 =	vld [tilespmem:$0x1FEB0];
	[tilespmem:s3+$0x10] =	vst v56;
	v5 =	vmov s18  }
0x2d8: {  	v4 =	vmovc v31;
	v6 =	vadd.s32 s18, v60;
	v7 =	vld.idx.msk [tilespmem:v55+s17+$0x0], $0xffff;
	v2 =	vadd.f32 v52, v18;
	v8 =	vadd.f32 v54, v18  }
0x2d9: {  	v31 =	vmovc v24;
	v9 =	vmul.f32 v51, v25;
	v18 =	vld [tilespmem:$0x1FF50];
	v17 =	vsub.f32 v47, v32;
	v4 =	vsub.f32 v45, v4  }
0x2da: {  	v24 =	vmovc v28;
	v41 =	vperm.xlane v42, v5;
	v0 =	vperm.xlane v61, v58;
	v3 =	vadd.s32 s29, v10;
	v58 =	vld [tilespmem:$0x1FFC0];
	[tilespmem:s0+$0xFFFFFFB0] =	vst v2  }
0x2db: {  	v10 =	vadd.s32 s30, v10;
	[tilespmem:s0+$0x30] =	vst v8;
	v17 =	vmul.f32 v17, v37;
	v4 =	vmul.f32 v4, v36;
	v14 =	vld.idx.msk [tilespmem:v50+s17+$0x0], $0xffff  }
0x2dc: {  	v28 =	vmovc v33;
	v33 =	vmovc v43;
	v13 =	vadd.s32 s1, v15;
	v15 =	vadd.s32 s13, v15;
	v43 =	vperm.xlane v61, v5;
	v16 =	vld.idx.msk [tilespmem:v46+s17+$0x0], $0xffff  }
0x2dd: {  	v12 =	vsub.f32 v57, v0;
	v6 =	vld.idx.msk [tilespmem:v6+s17+$0x0], $0xffff;
	v47 =	vmul.f32 v17, v22;
	v4 =	vmul.f32 v4, v22  }
0x2de: {  	v1 =	vsub.f32 v1, v38;
	v9 =	vmul.f32 v9, v18;
	v18 =	vmul.f32 v48, v18;
	v48 =	vld [tilespmem:$0x1FF20]  }
0x2df: {  	v57 =	vadd.s32 s11, v62;
	v7 =	vsub.f32 v7, v28;
	v12 =	vmul.f32 v12, v11  }
0x2e0: {  	v32 =	vmovc v27;
	v1 =	vmul.f32 v1, v39;
	v17 =	vld [tilespmem:$0x1FF90];
	v51 =	vadd.f32 v47, v59;
	v4 =	vadd.f32 v4, v59  }
0x2e1: {  	v53 =	vld [tilespmem:$0x1FF40];
	v27 =	vmovc v35;
	v9 =	vadd.f32 v9, v58;
	v12 =	vmul.f32 v12, v20;
	v18 =	vadd.f32 v18, v58  }
0x2e2: {  	v7 =	vmul.f32 v7, v34;
	v45 =	vsub.f32 v14, v27;
	v50 =	vsub.f32 v16, v24  }
0x2e3: {  	v52 =	vld [tilespmem:$0x1FED0];
	v6 =	vsub.f32 v6, v43;
	[tilespmem:s28+$0x50] =	vst v9;
	v46 =	vadd.f32 v12, v19;
	v1 =	vmul.f32 v1, v48  }
0x2e4: {  	[tilespmem:s28+$0xFFFFFFD0] =	vst v18;
	v9 =	vld.idx.msk [tilespmem:v10+s17+$0x0], $0xffff;
	v5 =	vmul.f32 v45, v30;
	v7 =	vmul.f32 v7, v48  }
0x2e5: {  	v3 =	vld.idx.msk [tilespmem:v3+s17+$0x0], $0xffff;
	v6 =	vmul.f32 v6, v41;
	[tilespmem:s7+$0xFFFFFF80] =	vst v46;
	v1 =	vadd.f32 v1, v17  }
0x2e6: {  	v8 =	vld.idx.msk [tilespmem:v57+s17+$0x0], $0xffff;
	v5 =	vmul.f32 v5, v53;
	v7 =	vadd.f32 v7, v17;
	[tilespmem:s26+$0xFFFFFFF0] =	vst v51  }
0x2e7: {  	v54 =	vmul.f32 v50, v29;
	v6 =	vmul.f32 v6, v20;
	v57 =	vadd.s32 s18, v62;
	[tilespmem:s3+$0xFFFFFFA0] =	vst v1  }
0x2e8: {  	v55 =	vadd.f32 v5, v23;
	[tilespmem:s3+$0x20] =	vst v7;
	v58 =	vld.idx.msk [tilespmem:v15+s17+$0x0], $0xffff  }
0x2e9: {  	v56 =	vmul.f32 v54, v53;
	v6 =	vadd.f32 v6, v19;
	v7 =	vld.idx.msk [tilespmem:v13+s17+$0x0], $0xffff;
	[tilespmem:s26+$0x70] =	vst v4  }
0x2ea: {  	v2 =	vadd.s32 s2, v52;
	s7 =	sadd.s32 $0x100, s7;
	v15 =	vld [tilespmem:$0x1FEC0];
	[tilespmem:s0+$0xFFFFFFC0] =	vst v55  }
0x2eb: {  	v48 =	vadd.s32 s31, v52;
	v61 =	vadd.f32 v56, v23;
	v9 =	vsub.f32 v9, v31;
	v55 =	vld [tilespmem:$0x1FEF0];
	[tilespmem:s7+$0x0] =	vst v6  }
0x2ec: {  	v3 =	vsub.f32 v3, v32;
	s26 =	smov.u32 s28;
	s28 =	smov.u32 s0;
	v10 =	vld.idx.msk [tilespmem:v57+s17+$0x0], $0xffff  }
0x2ed: {  	v9 =	vmul.f32 v9, v25;
	v54 =	vsub.f32 v8, v0;
	[tilespmem:s28+$0x40] =	vst v61;
	v61 =	vld [tilespmem:$0x1FF10]  }
0x2ee: {  	s19 =	smov.u32 s22;
	v35 =	vmovc v38;
	v37 =	vmov v26;
	v16 =	vld [tilespmem:$0x1FF80];
	v56 =	vmul.f32 v49, v44;
	v3 =	vmul.f32 v3, v26  }
0x2ef: {  	v36 =	vmovc v25;
	v50 =	vadd.s32 s19, v60;
	v2 =	vld.idx.msk [tilespmem:v2+s17+$0x0], $0xffff;
	v4 =	vmul.f32 v54, v11;
	v57 =	vmul.f32 v9, v63  }
0x2f0: {  	v26 =	vmovc v30;
	v5 =	vld.idx.msk [tilespmem:v48+s17+$0x0], $0xffff;
	v3 =	vmul.f32 v3, v63;
	v46 =	vadd.s32 s1, v15;
	v58 =	vsub.f32 v58, v35  }
0x2f1: {  	p0 =	slt.u32 s22, $0xE;
	v25 =	vmovc v29;
	v29 =	vmovc v34;
	v34 =	vld [tilespmem:$0x1FF30];
	v7 =	vsub.f32 v7, v28;
	v8 =	vadd.s32 s29, v55;
	s29 =	smov.u32 s2;
	v47 =	vadd.s32 s30, v55  }
0x2f2: {  	v30 =	vmovc v39;
	s2 =	smov.u32 s13;
	s30 =	smov.u32 s31;
	s13 =	smov.u32 s11;
	v1 =	vadd.f32 v57, v21;
	v12 =	vadd.f32 v3, v21;
	v4 =	vmul.f32 v4, v61  }
.Ltmp4:
0x2f3: {  	v38 =	vmovc v0;
	s31 =	smov.u32 s1;
	s1 =	smov.u32 s14;
	v53 =	vadd.s32 s13, v40;
	v0 =	vmul.f32 v56, v61;
	v9 =	vmul.f32 v58, v30;
	(pc) =	sbr.rel @p0 .LBB2_12-.Ltmp4, $4  }
0x2f4: {  	v57 =	vld.idx.msk [tilespmem:v50+s17+$0x0], $0xffff;
	v2 =	vsub.f32 v2, v27;
	v55 =	vadd.s32 s1, v40;
	[tilespmem:s26+$0x60] =	vst v1;
	v14 =	vadd.f32 v4, v16  }
0x2f5: {  	v18 =	vld [tilespmem:$0x1FFA0];
	s0 =	smov.u32 s3;
	s3 =	smov.u32 s21;
	v61 =	vmul.f32 v7, v29;
	v49 =	vsub.f32 v10, v43;
	[tilespmem:s26+$0xFFFFFFE0] =	vst v12;
	v51 =	vsub.f32 v5, v24  }
0x2f6: {  	s11 =	smov.u32 s19;
	v50 =	vadd.s32 s2, v15;
	v56 =	vadd.f32 v0, v16;
	v52 =	vmul.f32 v9, v34;
	v45 =	vld.idx.msk [tilespmem:v47+s17+$0x0], $0xffff;
	[tilespmem:s3+$0xFFFFFF90] =	vst v14  }
0x2f7: {  	s22 =	sadd.s32 $0x2, s22;
	s21 =	smov.u32 s7;
	v39 =	vmovc v11;
	s14 =	smov.u32 s18;
	v58 =	vmov s11;
	v48 =	vmul.f32 v2, v26;
	v54 =	vmul.f32 v61, v34;
	v34 =	vmovc v44;
	v47 =	vld.idx.msk [tilespmem:v8+s17+$0x0], $0xffff  }
0x2f8: {  	v0 =	vld [tilespmem:$0x1FE80];
	_ =	sdelay $0x4  }
0x2f9: {  	v44 =	vperm.xlane v0, v58;
	_ =	sdelay $0x1  }
0x2fa: {  	v58 =	vperm.xlane v42, v58;
	v0 =	vsub.f32 v57, v44;
	_ =	sdelay $0x1  }
0x2fb: {  	v0 =	vmul.f32 v0, v58;
	_ =	sdelay $0x1  }
0x2fc: {  	v1 =	vadd.s32 s11, v62;
	v0 =	vmul.f32 v0, v20;
	_ =	sdelay $0x1  }
0x2fd: {  	v0 =	vadd.f32 v0, v19;
	_ =	sdelay $0x1  }
0x2fe: {  	[tilespmem:s7+$0xFFFFFF80] =	vst v0  }
0x2ff: {  	v0 =	vld.idx.msk [tilespmem:v1+s17+$0x0], $0xffff;
	_ =	sdelay $0x2  }
0x300: {  	v3 =	vld [tilespmem:$0x1FF10];
	_ =	sdelay $0x1  }
0x301: {  	v0 =	vsub.f32 v0, v44  }
0x302: {  	v61 =	vmul.f32 v49, v41  }
0x303: {  	v0 =	vmul.f32 v0, v58  }
0x304: {  	v62 =	vadd.s32 s14, v40;
	v1 =	vmul.f32 v61, v3  }
0x305: {  	v2 =	vadd.s32 s11, v40;
	v0 =	vmul.f32 v0, v3  }
0x306: {  	v1 =	vadd.f32 v1, v16  }
0x307: {  	v4 =	vld.idx.msk [tilespmem:v53+s17+$0x0], $0xffff;
	[tilespmem:s3+$0x10] =	vst v56;
	v0 =	vadd.f32 v0, v16  }
0x308: {  	v5 =	vld.idx.msk [tilespmem:v55+s17+$0x0], $0xffff;
	[tilespmem:s21+$0x10] =	vst v1  }
0x309: {  	v1 =	vld.idx.msk [tilespmem:v62+s17+$0x0], $0xffff;
	[tilespmem:s21+$0xFFFFFF90] =	vst v0  }
0x30a: {  	v0 =	vld.idx.msk [tilespmem:v2+s17+$0x0], $0xffff  }
0x30b: {  	v10 =	vld [tilespmem:$0x1FEB0]  }
0x30c: {  	v16 =	vld [tilespmem:$0x1FF20]  }
0x30d: {  	v8 =	vsub.f32 v4, v38  }
0x30e: {  	v9 =	vsub.f32 v5, v33  }
0x30f: {  	v2 =	vmul.f32 v8, v39;
	v0 =	vsub.f32 v0, v44  }
0x310: {  	v40 =	vadd.f32 v54, v18;
	v3 =	vmul.f32 v9, v34;
	v1 =	vsub.f32 v1, v43  }
0x311: {  	v11 =	vadd.s32 s13, v10;
	v2 =	vmul.f32 v2, v16;
	v0 =	vmul.f32 v0, v58  }
0x312: {  	v1 =	vmul.f32 v1, v41;
	v20 =	vadd.s32 s1, v10;
	v3 =	vmul.f32 v3, v16  }
0x313: {  	v6 =	vadd.s32 s11, v10;
	v2 =	vadd.f32 v2, v17;
	v0 =	vmul.f32 v0, v16  }
0x314: {  	[tilespmem:s0+$0x30] =	vst v40;
	v1 =	vmul.f32 v1, v16;
	v3 =	vadd.f32 v3, v17  }
0x315: {  	[tilespmem:s3+$0xFFFFFFA0] =	vst v2;
	v0 =	vadd.f32 v0, v17  }
0x316: {  	v7 =	vadd.s32 s14, v10;
	v1 =	vadd.f32 v1, v17;
	[tilespmem:s3+$0x20] =	vst v3;
	v2 =	vld.idx.msk [tilespmem:v11+s17+$0x0], $0xffff  }
0x317: {  	v3 =	vld.idx.msk [tilespmem:v20+s17+$0x0], $0xffff;
	[tilespmem:s21+$0xFFFFFFA0] =	vst v0  }
0x318: {  	[tilespmem:s21+$0x20] =	vst v1;
	v0 =	vld.idx.msk [tilespmem:v6+s17+$0x0], $0xffff  }
0x319: {  	v49 =	vld [tilespmem:$0x1FF30]  }
0x31a: {  	v56 =	vld [tilespmem:$0x1FEC0]  }
0x31b: {  	v1 =	vld.idx.msk [tilespmem:v7+s17+$0x0], $0xffff;
	v2 =	vsub.f32 v2, v38  }
0x31c: {  	v3 =	vsub.f32 v3, v33  }
0x31d: {  	v2 =	vmul.f32 v2, v39;
	v0 =	vsub.f32 v0, v44  }
0x31e: {  	v42 =	vadd.f32 v52, v18;
	v3 =	vmul.f32 v3, v34  }
0x31f: {  	v2 =	vmul.f32 v2, v49;
	v60 =	vadd.s32 s13, v56;
	v0 =	vmul.f32 v0, v58  }
0x320: {  	v1 =	vsub.f32 v1, v43;
	v62 =	vadd.s32 s1, v56;
	v3 =	vmul.f32 v3, v49  }
0x321: {  	v2 =	vadd.f32 v2, v18;
	v0 =	vmul.f32 v0, v49  }
0x322: {  	v61 =	vld.idx.msk [tilespmem:v46+s17+$0x0], $0xffff;
	[tilespmem:s0+$0xFFFFFFB0] =	vst v42;
	v1 =	vmul.f32 v1, v41;
	v3 =	vadd.f32 v3, v18  }
0x323: {  	v16 =	vld.idx.msk [tilespmem:v50+s17+$0x0], $0xffff;
	v8 =	vadd.s32 s11, v56;
	[tilespmem:s3+$0xFFFFFFB0] =	vst v2;
	v0 =	vadd.f32 v0, v18  }
0x324: {  	v1 =	vmul.f32 v1, v49;
	[tilespmem:s3+$0x30] =	vst v3;
	v4 =	vld.idx.msk [tilespmem:v60+s17+$0x0], $0xffff  }
0x325: {  	v9 =	vadd.s32 s14, v56;
	v40 =	vld.idx.msk [tilespmem:v62+s17+$0x0], $0xffff;
	[tilespmem:s21+$0xFFFFFFB0] =	vst v0  }
0x326: {  	v1 =	vadd.f32 v1, v18;
	v60 =	vld [tilespmem:$0x1FEE0]  }
0x327: {  	v62 =	vld [tilespmem:$0x1FF50]  }
0x328: {  	v49 =	vld.idx.msk [tilespmem:v8+s17+$0x0], $0xffff;
	[tilespmem:s21+$0x30] =	vst v1  }
0x329: {  	v50 =	vld [tilespmem:$0x1FED0]  }
0x32a: {  	v20 =	vsub.f32 v61, v28;
	v9 =	vld.idx.msk [tilespmem:v9+s17+$0x0], $0xffff  }
0x32b: {  	v46 =	vsub.f32 v16, v35;
	v53 =	vld [tilespmem:$0x1FF40]  }
0x32c: {  	v3 =	vmul.f32 v20, v29;
	v20 =	vld [tilespmem:$0x1FFC0];
	v4 =	vsub.f32 v4, v38;
	v5 =	vsub.f32 v40, v33  }
0x32d: {  	v17 =	vmul.f32 v51, v25;
	v6 =	vmul.f32 v46, v30  }
0x32e: {  	v4 =	vmul.f32 v4, v39;
	v5 =	vmul.f32 v5, v34;
	v42 =	vadd.s32 s29, v60  }
0x32f: {  	v2 =	vmul.f32 v17, v62;
	v10 =	vmul.f32 v48, v62;
	v7 =	vsub.f32 v49, v44  }
0x330: {  	v51 =	vadd.s32 s2, v50;
	v3 =	vmul.f32 v3, v53;
	v11 =	vadd.s32 s31, v50  }
0x331: {  	v6 =	vmul.f32 v6, v53;
	v9 =	vsub.f32 v9, v43;
	v2 =	vadd.f32 v2, v20  }
0x332: {  	v54 =	vadd.s32 s13, v50;
	v4 =	vmul.f32 v4, v53;
	v10 =	vadd.f32 v10, v20  }
0x333: {  	v5 =	vmul.f32 v5, v53;
	v7 =	vmul.f32 v7, v58;
	v3 =	vadd.f32 v3, v23;
	[tilespmem:s28+$0x50] =	vst v2  }
0x334: {  	v56 =	vadd.s32 s1, v50;
	v6 =	vadd.f32 v6, v23;
	v9 =	vmul.f32 v9, v41;
	[tilespmem:s28+$0xFFFFFFD0] =	vst v10  }
0x335: {  	v16 =	vadd.s32 s11, v50;
	v61 =	vadd.f32 v4, v23;
	v7 =	vmul.f32 v7, v53;
	[tilespmem:s0+$0x40] =	vst v3;
	v0 =	vld.idx.msk [tilespmem:v42+s17+$0x0], $0xffff  }
0x336: {  	v17 =	vadd.s32 s14, v50;
	v5 =	vadd.f32 v5, v23;
	[tilespmem:s0+$0xFFFFFFC0] =	vst v6;
	v9 =	vmul.f32 v9, v53;
	v55 =	vld.idx.msk [tilespmem:v11+s17+$0x0], $0xffff  }
0x337: {  	[tilespmem:s3+$0xFFFFFFC0] =	vst v61;
	v1 =	vld.idx.msk [tilespmem:v51+s17+$0x0], $0xffff;
	v18 =	vadd.f32 v7, v23  }
0x338: {  	[tilespmem:s3+$0x40] =	vst v5;
	v3 =	vld.idx.msk [tilespmem:v54+s17+$0x0], $0xffff;
	v23 =	vadd.f32 v9, v23  }
0x339: {  	v42 =	vld.idx.msk [tilespmem:v56+s17+$0x0], $0xffff;
	[tilespmem:s21+$0xFFFFFFC0] =	vst v18  }
0x33a: {  	v52 =	vadd.s32 s30, v60;
	v2 =	vld.idx.msk [tilespmem:v16+s17+$0x0], $0xffff;
	[tilespmem:s21+$0x40] =	vst v23  }
0x33b: {  	v48 =	vld.idx.msk [tilespmem:v17+s17+$0x0], $0xffff;
	v6 =	vsub.f32 v55, v28  }
0x33c: {  	v49 =	vadd.s32 s31, v60;
	v1 =	vsub.f32 v1, v35  }
0x33d: {  	v50 =	vadd.s32 s2, v60;
	v3 =	vsub.f32 v3, v38;
	v6 =	vmul.f32 v6, v29  }
0x33e: {  	v51 =	vadd.s32 s13, v60;
	v9 =	vsub.f32 v42, v33;
	v1 =	vmul.f32 v1, v30  }
0x33f: {  	v8 =	vld.idx.msk [tilespmem:v52+s17+$0x0], $0xffff;
	v3 =	vmul.f32 v3, v39;
	v2 =	vsub.f32 v2, v44;
	v6 =	vmul.f32 v6, v62  }
0x340: {  	v9 =	vmul.f32 v9, v34;
	v1 =	vmul.f32 v1, v62;
	v7 =	vsub.f32 v48, v43  }
0x341: {  	v3 =	vmul.f32 v3, v62;
	v2 =	vmul.f32 v2, v58;
	v6 =	vadd.f32 v6, v20  }
0x342: {  	v9 =	vmul.f32 v9, v62;
	v1 =	vadd.f32 v1, v20;
	v7 =	vmul.f32 v7, v41  }
0x343: {  	v52 =	vadd.s32 s1, v60;
	v3 =	vadd.f32 v3, v20;
	v2 =	vmul.f32 v2, v62;
	[tilespmem:s0+$0x50] =	vst v6  }
0x344: {  	v8 =	vsub.f32 v8, v24;
	v9 =	vadd.f32 v9, v20;
	[tilespmem:s0+$0xFFFFFFD0] =	vst v1;
	v7 =	vmul.f32 v7, v62  }
0x345: {  	v0 =	vsub.f32 v0, v27;
	[tilespmem:s3+$0xFFFFFFD0] =	vst v3;
	v10 =	vld.idx.msk [tilespmem:v49+s17+$0x0], $0xffff;
	v2 =	vadd.f32 v2, v20  }
0x346: {  	v12 =	vadd.s32 s11, v60;
	[tilespmem:s3+$0x50] =	vst v9;
	v11 =	vld.idx.msk [tilespmem:v50+s17+$0x0], $0xffff;
	v53 =	vadd.f32 v7, v20  }
0x347: {  	v13 =	vadd.s32 s14, v60;
	v8 =	vmul.f32 v8, v25;
	v0 =	vmul.f32 v0, v26;
	v3 =	vld.idx.msk [tilespmem:v51+s17+$0x0], $0xffff;
	[tilespmem:s21+$0xFFFFFFD0] =	vst v2  }
0x348: {  	v1 =	vld.idx.msk [tilespmem:v52+s17+$0x0], $0xffff;
	[tilespmem:s21+$0x50] =	vst v53  }
0x349: {  	v54 =	vmul.f32 v8, v63;
	v0 =	vmul.f32 v0, v63;
	v61 =	vld [tilespmem:$0x1FEF0]  }
0x34a: {  	v46 =	vsub.f32 v45, v31;
	v40 =	vsub.f32 v47, v32  }
0x34b: {  	v0 =	vadd.f32 v0, v21;
	v7 =	vadd.f32 v54, v21;
	v57 =	vld.idx.msk [tilespmem:v12+s17+$0x0], $0xffff  }
0x34c: {  	v16 =	vld.idx.msk [tilespmem:v13+s17+$0x0], $0xffff;
	v55 =	vsub.f32 v10, v28;
	v56 =	vsub.f32 v11, v35  }
0x34d: {  	v47 =	vmul.f32 v40, v37;
	v3 =	vsub.f32 v3, v38;
	v1 =	vsub.f32 v1, v33  }
0x34e: {  	v8 =	vmul.f32 v55, v29;
	v2 =	vmul.f32 v56, v30;
	v60 =	vadd.s32 s29, v61  }
0x34f: {  	v3 =	vmul.f32 v3, v39;
	v1 =	vmul.f32 v1, v34;
	v62 =	vadd.s32 s30, v61  }
0x350: {  	v6 =	vsub.f32 v57, v44;
	v12 =	vadd.s32 s2, v61;
	v2 =	vmul.f32 v2, v63  }
0x351: {  	v8 =	vmul.f32 v8, v63;
	v17 =	vadd.s32 s31, v61;
	v23 =	vsub.f32 v16, v43  }
0x352: {  	[tilespmem:s28+$0xFFFFFFE0] =	vst v0;
	v31 =	vadd.s32 s13, v61;
	v3 =	vmul.f32 v3, v63;
	v2 =	vadd.f32 v2, v21  }
0x353: {  	[tilespmem:s28+$0x60] =	vst v7;
	v13 =	vadd.s32 s1, v61;
	v1 =	vmul.f32 v1, v63;
	v18 =	vadd.f32 v8, v21;
	v20 =	vld.idx.msk [tilespmem:v60+s17+$0x0], $0xffff  }
0x354: {  	v6 =	vmul.f32 v6, v58;
	v32 =	vadd.f32 v3, v21;
	[tilespmem:s0+$0xFFFFFFE0] =	vst v2;
	v10 =	vld.idx.msk [tilespmem:v62+s17+$0x0], $0xffff  }
0x355: {  	v9 =	vmul.f32 v23, v41;
	v1 =	vadd.f32 v1, v21;
	[tilespmem:s0+$0x60] =	vst v18;
	v37 =	vld.idx.msk [tilespmem:v12+s17+$0x0], $0xffff  }
0x356: {  	v4 =	vmul.f32 v46, v36;
	v36 =	vadd.s32 s11, v61;
	v6 =	vmul.f32 v6, v63;
	[tilespmem:s3+$0xFFFFFFE0] =	vst v32;
	v7 =	vld.idx.msk [tilespmem:v17+s17+$0x0], $0xffff  }
0x357: {  	v9 =	vmul.f32 v9, v63;
	[tilespmem:s3+$0x60] =	vst v1;
	v12 =	vadd.s32 s14, v61;
	v45 =	vld.idx.msk [tilespmem:v31+s17+$0x0], $0xffff  }
0x358: {  	v40 =	vadd.f32 v6, v21;
	v46 =	vld.idx.msk [tilespmem:v13+s17+$0x0], $0xffff  }
0x359: {  	v5 =	vmul.f32 v47, v22;
	v9 =	vadd.f32 v9, v21  }
0x35a: {  	v47 =	vmul.f32 v4, v22;
	[tilespmem:s21+$0xFFFFFFE0] =	vst v40;
	v8 =	vsub.f32 v20, v27;
	v42 =	vsub.f32 v10, v24  }
0x35b: {  	[tilespmem:s21+$0x60] =	vst v9;
	v3 =	vld.idx.msk [tilespmem:v36+s17+$0x0], $0xffff;
	v0 =	vsub.f32 v37, v35;
	v7 =	vsub.f32 v7, v28  }
0x35c: {  	v50 =	vld.idx.msk [tilespmem:v12+s17+$0x0], $0xffff;
	v1 =	vsub.f32 v45, v38;
	v8 =	vmul.f32 v8, v26;
	v48 =	vmul.f32 v42, v25  }
0x35d: {  	v51 =	vsub.f32 v46, v33;
	v0 =	vmul.f32 v0, v30;
	v7 =	vmul.f32 v7, v29  }
0x35e: {  	v5 =	vadd.f32 v5, v59;
	v1 =	vmul.f32 v1, v39;
	v49 =	vmul.f32 v8, v22  }
0x35f: {  	v2 =	vadd.f32 v47, v59;
	v53 =	vmul.f32 v51, v34;
	v4 =	vmul.f32 v48, v22  }
0x360: {  	[tilespmem:s26+$0xFFFFFFF0] =	vst v5;
	v3 =	vsub.f32 v3, v44;
	v0 =	vmul.f32 v0, v22;
	v6 =	vadd.f32 v49, v59  }
0x361: {  	[tilespmem:s26+$0x70] =	vst v2;
	v52 =	vmul.f32 v7, v22;
	v54 =	vsub.f32 v50, v43;
	v4 =	vadd.f32 v4, v59  }
0x362: {  	v1 =	vmul.f32 v1, v22;
	v3 =	vmul.f32 v3, v58;
	v0 =	vadd.f32 v0, v59;
	[tilespmem:s28+$0xFFFFFFF0] =	vst v6  }
0x363: {  	s25 =	sadd.s32 $0x1, s25;
	v55 =	vmul.f32 v53, v22;
	v2 =	vadd.f32 v52, v59;
	v56 =	vmul.f32 v54, v41;
	[tilespmem:s28+$0x70] =	vst v4  }
0x364: {  	p0 =	sne.s32 s25, $0x14;
	v57 =	vadd.f32 v1, v59;
	v58 =	vmul.f32 v3, v22;
	[tilespmem:s0+$0xFFFFFFF0] =	vst v0  }
.Ltmp5:
0x365: {  	v60 =	vadd.f32 v55, v59;
	[tilespmem:s0+$0x70] =	vst v2;
	v61 =	vmul.f32 v56, v22;
	(pc) =	sbr.rel @p0 .LBB2_9-.Ltmp5, $4  }
0x366: {  	[tilespmem:s3+$0xFFFFFFF0] =	vst v57;
	v62 =	vadd.f32 v58, v59  }
0x367: {  	[tilespmem:s3+$0x70] =	vst v60;
	v63 =	vadd.f32 v61, v59  }
0x368: {  	[tilespmem:s21+$0xFFFFFFF0] =	vst v62  }
0x369: {  	s20 =	sadd.s32 $0x800, s20;
	v13 =	vmov v19;
	[tilespmem:s21+$0x70] =	vst v63  }
0x36a: {  	s23 =	sadd.s32 $0x1, s23  }
0x36b: {  	p0 =	sne.s32 s23, $0xA  }
.Ltmp6:
0x36c: {  	_ = 	snop;
	(pc) =	sbr.rel @p0 .LBB2_2-.Ltmp6, $4  }
0x36d: {  	s0 =	sshll.u32 s24, $0x4  }
0x36e: {  	s0 =	sand.u32 $0x1FFFFC00, s0  }
0x36f: {  	s1 =	simm.s32 $0xDF80;
	s0 =	sadd.s32 s4, s0  }
0x370: {  	[hbm4b:s0+s5] =	stream.linear.scatter [tilespmem:s1], [sflag:$0x2], $0xA000, $0x38;
	[tilespmem:$0x17F80] =	vst v63  }
0x371: {  	s0 =	simm.s32 $0x1  }
0x372: {  	_ =	swait.ge [sflag:s0], $0xA000  }
0x373: {  	[sflag:s0] =	ssyncset.done $0x0  }
0x374: {  	s1 =	simm.s32 $0x2;
	[sflag:s0] =	ssyncadd.s32 $0xFFFF6000  }
0x375: {  	_ =	swait.ge [sflag:s1], $0xA000  }
0x376: {  	s2 =	rddreg [dreg:$0x7]  }
0x377: {  	s31 =	rddreg [dreg:$0x6];
	s2 =	sadd.s32 $0x1, s2  }
0x378: {  	p0 =	sne.s32 s2, s31  }
.Ltmp7:
0x379: {  	_ = 	snop;
	(pc) =	sbr.rel @p0 .LBB2_1-.Ltmp7, $3  }
0x37a: {  	_ =	sdelay $0x1  }
0x37b: {  	[sflag:s1] =	ssyncset.done $0x0  }
0x37c: {  	[sflag:s1] =	ssyncadd.s32 $0xFFFF6000  }
0x37d: {  	_ =	sfence.sel $0x180000  }
0x37e: {  	[bflag:$0x0] =	sbarrier.arrive $0xFFFF  }
0x37f: {  	_ =	strace $0x90000047  }
0x380: {  	s0 =	stileid.u32;
	[bflag:$0x2] =	sbarrier.arrive $0xFFFF  }
0x381: {  	p0 =	sne.s32 s0, $0x0;
	s0 =	rddreg [dreg:$0x4]  }
0x382: {  	s0 =	sadd.s32 @!p0 $0x100000, s0  }
0x383: {  	[sflag:s0] =	ssyncadd.tile.s32 @!p0 $0x1;
	_ =	shalt  }
.Lfunc_end2:
_tile_overlayer_lowered:
.L_overlay_start_2:
0x384: {  	(tag) =	ssettag $0x2  }
0x385: {  	s0 =	rddreg [dreg:$0x0];
	s2 =	stileid.u32  }
0x386: {  	s1 =	rddreg [dreg:$0x1];
	p0 =	sne.s32 s2, $0x0  }
0x387: {  	s3 =	rddreg [dreg:$0x2];
	[bflag:$0x3] =	sbarrier.arrive $0xFFFF;
	s2 =	simm.s32 @!p0 $0x1C03  }
0x388: {  	[timem:s3], [sflag:s2] =	dma.local @!p0 [hbm:s0], s1  }
0x389: {  	s0 =	simm.s32 @!p0 $0x3  }
0x38a: {  	_ =	swait.ge @!p0 [sflag:s0], s1  }
0x38b: {  	s1 =	ssub.s32 @!p0 $0x0, s1;
	[sflag:s0] =	ssyncset.done @!p0 $0x0  }
0x38c: {  	[sflag:s0] =	ssyncadd.s32 @!p0 s1  }
0x38d: {  	[bflag:$0x3] =	sbarrier.arrive $0xFFFF  }
0x38e: {  	_ =	shalt  }

</sc_bundles>
